<compile_context>
chip_gen: v7x
topology: tpu7x:2x2x1
jax: 0.10.2.dev20260603
libtpu: 0.0.44.dev20260713+nightly
codegen_flags: <defaults>
</compile_context>

<pallas_src>
import jax
import jax.numpy as jnp
from jax.experimental import pallas as pl

N = 256
OUT_W = N * (N + 1) // 2
BATCH_BLK = 8


def _seg_off(i):
    return i * N - i * (i - 1) // 2


def _body(x_ref, o_ref):
    for i in range(N):
        m = N - i
        o_ref[:, pl.ds(_seg_off(i), m)] = x_ref[:, pl.ds(i * (N + 1), m)]


def kernel(input):
    B = input.shape[0]
    x2 = input.reshape(B, N * N)
    out = pl.pallas_call(
        _body,
        grid=(B // BATCH_BLK,),
        in_specs=[pl.BlockSpec((BATCH_BLK, N * N), lambda b: (b, 0))],
        out_specs=pl.BlockSpec((BATCH_BLK, OUT_W), lambda b: (b, 0)),
        out_shape=jax.ShapeDtypeStruct((B, OUT_W), input.dtype),
    )(x2)
    return out

# --- scband reference (transcript-rebuilt; emitter-appended) ---
"""Pipeline reference for scband-spdvectorize-39427799777542 (READ-ONLY COPY).

The authoritative reference and input builder live on the scoring server;
editing this copy changes nothing except your own understanding.
"""

import jax, jax.numpy as jnp
import numpy as np

N = 256

def setup_inputs(seed: int = 0) -> dict:
    key = jax.random.key(seed)
    x = jax.random.normal(key, (1024, N, N), dtype=jnp.float32)
    return {"input": x}

def reference(input):
    row_idx, col_idx = np.triu_indices(N)
    row_idx = jnp.asarray(row_idx, dtype=jnp.int32)
    col_idx = jnp.asarray(col_idx, dtype=jnp.int32)
    # output = input[:, row_idx, col_idx] -> advanced indexing gather of upper-tri entries
    output = input[:, row_idx, col_idx]
    return output

if __name__ == "__main__":
    import jax
    _d = setup_inputs()
    print(jax.jit(kernel)(*tuple(_d.values())))

</pallas_src>

<mosaic_0001>
module attributes {stable_mosaic.version = 14 : i64} {
  func.func @_body(%arg0: i32, %arg1: memref<8x65536xf32, #tpu.memory_space<vmem>>, %arg2: memref<8x32896xf32, #tpu.memory_space<vmem>>) attributes {dimension_semantics = [#tpu.dimension_semantics<arbitrary>], iteration_bounds = array<i64: 128>, scalar_prefetch = 0 : i64, scratch_operands = 0 : i64, tpu.core_type = #tpu.core_type<tc>, window_params = [{transform_indices = @transform_0, window_bounds = array<i64: 8, 65536>}, {transform_indices = @transform_1, window_bounds = array<i64: 8, 32896>}]} {
    %get3A = arith.constant 0 : index
    %get3A_0 = arith.constant 0 : index
    %get3A_1 = vector.load %arg1[%get3A, %get3A_0] : memref<8x65536xf32, #tpu.memory_space<vmem>>, vector<8x256xf32>
    %swap3A = arith.constant 0 : index
    %swap3A_2 = arith.constant 0 : index
    %swap3A_3 = vector.load %arg2[%swap3A, %swap3A_2] : memref<8x32896xf32, #tpu.memory_space<vmem>>, vector<8x256xf32>
    tpu.vector_store %arg2[%swap3A, %swap3A_2], %get3A_1 {strides = array<i32>} : memref<8x32896xf32, #tpu.memory_space<vmem>>, vector<8x256xf32>,
    %get3A_4 = arith.constant 0 : index
    %get3A_5 = arith.constant 257 : index
    %get3A_6 = vector.load %arg1[%get3A_4, %get3A_5] : memref<8x65536xf32, #tpu.memory_space<vmem>>, vector<8x255xf32>
    %swap3A_7 = arith.constant 0 : index
    %swap3A_8 = arith.constant 256 : index
    %swap3A_9 = vector.load %arg2[%swap3A_7, %swap3A_8] : memref<8x32896xf32, #tpu.memory_space<vmem>>, vector<8x255xf32>
    tpu.vector_store %arg2[%swap3A_7, %swap3A_8], %get3A_6 {strides = array<i32>} : memref<8x32896xf32, #tpu.memory_space<vmem>>, vector<8x255xf32>,
    %get3A_10 = arith.constant 0 : index
    %get3A_11 = arith.constant 514 : index
    %get3A_12 = vector.load %arg1[%get3A_10, %get3A_11] : memref<8x65536xf32, #tpu.memory_space<vmem>>, vector<8x254xf32>
    %swap3A_13 = arith.constant 0 : index
    %swap3A_14 = arith.constant 511 : index
    %swap3A_15 = vector.load %arg2[%swap3A_13, %swap3A_14] : memref<8x32896xf32, #tpu.memory_space<vmem>>, vector<8x254xf32>
    tpu.vector_store %arg2[%swap3A_13, %swap3A_14], %get3A_12 {strides = array<i32>} : memref<8x32896xf32, #tpu.memory_space<vmem>>, vector<8x254xf32>,
    %get3A_16 = arith.constant 0 : index
    %get3A_17 = arith.constant 771 : index
    %get3A_18 = vector.load %arg1[%get3A_16, %get3A_17] : memref<8x65536xf32, #tpu.memory_space<vmem>>, vector<8x253xf32>
    %swap3A_19 = arith.constant 0 : index
    %swap3A_20 = arith.constant 765 : index
    %swap3A_21 = vector.load %arg2[%swap3A_19, %swap3A_20] : memref<8x32896xf32, #tpu.memory_space<vmem>>, vector<8x253xf32>
    tpu.vector_store %arg2[%swap3A_19, %swap3A_20], %get3A_18 {strides = array<i32>} : memref<8x32896xf32, #tpu.memory_space<vmem>>, vector<8x253xf32>,
    %get3A_22 = arith.constant 0 : index
    %get3A_23 = arith.constant 1028 : index
    %get3A_24 = vector.load %arg1[%get3A_22, %get3A_23] : memref<8x65536xf32, #tpu.memory_space<vmem>>, vector<8x252xf32>
    %swap3A_25 = arith.constant 0 : index
    %swap3A_26 = arith.constant 1018 : index
    %swap3A_27 = vector.load %arg2[%swap3A_25, %swap3A_26] : memref<8x32896xf32, #tpu.memory_space<vmem>>, vector<8x252xf32>
    tpu.vector_store %arg2[%swap3A_25, %swap3A_26], %get3A_24 {strides = array<i32>} : memref<8x32896xf32, #tpu.memory_space<vmem>>, vector<8x252xf32>,
    %get3A_28 = arith.constant 0 : index
    %get3A_29 = arith.constant 1285 : index
    %get3A_30 = vector.load %arg1[%get3A_28, %get3A_29] : memref<8x65536xf32, #tpu.memory_space<vmem>>, vector<8x251xf32>
    %swap3A_31 = arith.constant 0 : index
    %swap3A_32 = arith.constant 1270 : index
    %swap3A_33 = vector.load %arg2[%swap3A_31, %swap3A_32] : memref<8x32896xf32, #tpu.memory_space<vmem>>, vector<8x251xf32>
    tpu.vector_store %arg2[%swap3A_31, %swap3A_32], %get3A_30 {strides = array<i32>} : memref<8x32896xf32, #tpu.memory_space<vmem>>, vector<8x251xf32>,
    %get3A_34 = arith.constant 0 : index
    %get3A_35 = arith.constant 1542 : index
    %get3A_36 = vector.load %arg1[%get3A_34, %get3A_35] : memref<8x65536xf32, #tpu.memory_space<vmem>>, vector<8x250xf32>
    %swap3A_37 = arith.constant 0 : index
    %swap3A_38 = arith.constant 1521 : index
    %swap3A_39 = vector.load %arg2[%swap3A_37, %swap3A_38] : memref<8x32896xf32, #tpu.memory_space<vmem>>, vector<8x250xf32>
    tpu.vector_store %arg2[%swap3A_37, %swap3A_38], %get3A_36 {strides = array<i32>} : memref<8x32896xf32, #tpu.memory_space<vmem>>, vector<8x250xf32>,
    %get3A_40 = arith.constant 0 : index
    %get3A_41 = arith.constant 1799 : index
    %get3A_42 = vector.load %arg1[%get3A_40, %get3A_41] : memref<8x65536xf32, #tpu.memory_space<vmem>>, vector<8x249xf32>
    %swap3A_43 = arith.constant 0 : index
    %swap3A_44 = arith.constant 1771 : index
    %swap3A_45 = vector.load %arg2[%swap3A_43, %swap3A_44] : memref<8x32896xf32, #tpu.memory_space<vmem>>, vector<8x249xf32>
    tpu.vector_store %arg2[%swap3A_43, %swap3A_44], %get3A_42 {strides = array<i32>} : memref<8x32896xf32, #tpu.memory_space<vmem>>, vector<8x249xf32>,
    %get3A_46 = arith.constant 0 : index
    %get3A_47 = arith.constant 2056 : index
    %get3A_48 = vector.load %arg1[%get3A_46, %get3A_47] : memref<8x65536xf32, #tpu.memory_space<vmem>>, vector<8x248xf32>
    %swap3A_49 = arith.constant 0 : index
    %swap3A_50 = arith.constant 2020 : index
    %swap3A_51 = vector.load %arg2[%swap3A_49, %swap3A_50] : memref<8x32896xf32, #tpu.memory_space<vmem>>, vector<8x248xf32>
    tpu.vector_store %arg2[%swap3A_49, %swap3A_50], %get3A_48 {strides = array<i32>} : memref<8x32896xf32, #tpu.memory_space<vmem>>, vector<8x248xf32>,
    %get3A_52 = arith.constant 0 : index
    %get3A_53 = arith.constant 2313 : index
    %get3A_54 = vector.load %arg1[%get3A_52, %get3A_53] : memref<8x65536xf32, #tpu.memory_space<vmem>>, vector<8x247xf32>
    %swap3A_55 = arith.constant 0 : index
    %swap3A_56 = arith.constant 2268 : index
    %swap3A_57 = vector.load %arg2[%swap3A_55, %swap3A_56] : memref<8x32896xf32, #tpu.memory_space<vmem>>, vector<8x247xf32>
    tpu.vector_store %arg2[%swap3A_55, %swap3A_56], %get3A_54 {strides = array<i32>} : memref<8x32896xf32, #tpu.memory_space<vmem>>, vector<8x247xf32>,
    %get3A_58 = arith.constant 0 : index
    %get3A_59 = arith.constant 2570 : index
    %get3A_60 = vector.load %arg1[%get3A_58, %get3A_59] : memref<8x65536xf32, #tpu.memory_space<vmem>>, vector<8x246xf32>
    %swap3A_61 = arith.constant 0 : index
    %swap3A_62 = arith.constant 2515 : index
    %swap3A_63 = vector.load %arg2[%swap3A_61, %swap3A_62] : memref<8x32896xf32, #tpu.memory_space<vmem>>, vector<8x246xf32>
    tpu.vector_store %arg2[%swap3A_61, %swap3A_62], %get3A_60 {strides = array<i32>} : memref<8x32896xf32, #tpu.memory_space<vmem>>, vector<8x246xf32>,
    %get3A_64 = arith.constant 0 : index
    %get3A_65 = arith.constant 2827 : index
    %get3A_66 = vector.load %arg1[%get3A_64, %get3A_65] : memref<8x65536xf32, #tpu.memory_space<vmem>>, vector<8x245xf32>
    %swap3A_67 = arith.constant 0 : index
    %swap3A_68 = arith.constant 2761 : index
    %swap3A_69 = vector.load %arg2[%swap3A_67, %swap3A_68] : memref<8x32896xf32, #tpu.memory_space<vmem>>, vector<8x245xf32>
    tpu.vector_store %arg2[%swap3A_67, %swap3A_68], %get3A_66 {strides = array<i32>} : memref<8x32896xf32, #tpu.memory_space<vmem>>, vector<8x245xf32>,
    %get3A_70 = arith.constant 0 : index
    %get3A_71 = arith.constant 3084 : index
    %get3A_72 = vector.load %arg1[%get3A_70, %get3A_71] : memref<8x65536xf32, #tpu.memory_space<vmem>>, vector<8x244xf32>
    %swap3A_73 = arith.constant 0 : index
    %swap3A_74 = arith.constant 3006 : index
    %swap3A_75 = vector.load %arg2[%swap3A_73, %swap3A_74] : memref<8x32896xf32, #tpu.memory_space<vmem>>, vector<8x244xf32>
    tpu.vector_store %arg2[%swap3A_73, %swap3A_74], %get3A_72 {strides = array<i32>} : memref<8x32896xf32, #tpu.memory_space<vmem>>, vector<8x244xf32>,
    %get3A_76 = arith.constant 0 : index
    %get3A_77 = arith.constant 3341 : index
    %get3A_78 = vector.load %arg1[%get3A_76, %get3A_77] : memref<8x65536xf32, #tpu.memory_space<vmem>>, vector<8x243xf32>
    %swap3A_79 = arith.constant 0 : index
    %swap3A_80 = arith.constant 3250 : index
    %swap3A_81 = vector.load %arg2[%swap3A_79, %swap3A_80] : memref<8x32896xf32, #tpu.memory_space<vmem>>, vector<8x243xf32>
    tpu.vector_store %arg2[%swap3A_79, %swap3A_80], %get3A_78 {strides = array<i32>} : memref<8x32896xf32, #tpu.memory_space<vmem>>, vector<8x243xf32>,
    %get3A_82 = arith.constant 0 : index
    %get3A_83 = arith.constant 3598 : index
    %get3A_84 = vector.load %arg1[%get3A_82, %get3A_83] : memref<8x65536xf32, #tpu.memory_space<vmem>>, vector<8x242xf32>
    %swap3A_85 = arith.constant 0 : index
    %swap3A_86 = arith.constant 3493 : index
    %swap3A_87 = vector.load %arg2[%swap3A_85, %swap3A_86] : memref<8x32896xf32, #tpu.memory_space<vmem>>, vector<8x242xf32>
    tpu.vector_store %arg2[%swap3A_85, %swap3A_86], %get3A_84 {strides = array<i32>} : memref<8x32896xf32, #tpu.memory_space<vmem>>, vector<8x242xf32>,
    %get3A_88 = arith.constant 0 : index
    %get3A_89 = arith.constant 3855 : index
    %get3A_90 = vector.load %arg1[%get3A_88, %get3A_89] : memref<8x65536xf32, #tpu.memory_space<vmem>>, vector<8x241xf32>
    %swap3A_91 = arith.constant 0 : index
    %swap3A_92 = arith.constant 3735 : index
    %swap3A_93 = vector.load %arg2[%swap3A_91, %swap3A_92] : memref<8x32896xf32, #tpu.memory_space<vmem>>, vector<8x241xf32>
    tpu.vector_store %arg2[%swap3A_91, %swap3A_92], %get3A_90 {strides = array<i32>} : memref<8x32896xf32, #tpu.memory_space<vmem>>, vector<8x241xf32>,
    %get3A_94 = arith.constant 0 : index
    %get3A_95 = arith.constant 4112 : index
    %get3A_96 = vector.load %arg1[%get3A_94, %get3A_95] : memref<8x65536xf32, #tpu.memory_space<vmem>>, vector<8x240xf32>
    %swap3A_97 = arith.constant 0 : index
    %swap3A_98 = arith.constant 3976 : index
    %swap3A_99 = vector.load %arg2[%swap3A_97, %swap3A_98] : memref<8x32896xf32, #tpu.memory_space<vmem>>, vector<8x240xf32>
    tpu.vector_store %arg2[%swap3A_97, %swap3A_98], %get3A_96 {strides = array<i32>} : memref<8x32896xf32, #tpu.memory_space<vmem>>, vector<8x240xf32>,
    %get3A_100 = arith.constant 0 : index
    %get3A_101 = arith.constant 4369 : index
    %get3A_102 = vector.load %arg1[%get3A_100, %get3A_101] : memref<8x65536xf32, #tpu.memory_space<vmem>>, vector<8x239xf32>
    %swap3A_103 = arith.constant 0 : index
    %swap3A_104 = arith.constant 4216 : index
    %swap3A_105 = vector.load %arg2[%swap3A_103, %swap3A_104] : memref<8x32896xf32, #tpu.memory_space<vmem>>, vector<8x239xf32>
    tpu.vector_store %arg2[%swap3A_103, %swap3A_104], %get3A_102 {strides = array<i32>} : memref<8x32896xf32, #tpu.memory_space<vmem>>, vector<8x239xf32>,
    %get3A_106 = arith.constant 0 : index
    %get3A_107 = arith.constant 4626 : index
    %get3A_108 = vector.load %arg1[%get3A_106, %get3A_107] : memref<8x65536xf32, #tpu.memory_space<vmem>>, vector<8x238xf32>
    %swap3A_109 = arith.constant 0 : index
    %swap3A_110 = arith.constant 4455 : index
    %swap3A_111 = vector.load %arg2[%swap3A_109, %swap3A_110] : memref<8x32896xf32, #tpu.memory_space<vmem>>, vector<8x238xf32>
    tpu.vector_store %arg2[%swap3A_109, %swap3A_110], %get3A_108 {strides = array<i32>} : memref<8x32896xf32, #tpu.memory_space<vmem>>, vector<8x238xf32>,
    %get3A_112 = arith.constant 0 : index
    %get3A_113 = arith.constant 4883 : index
    %get3A_114 = vector.load %arg1[%get3A_112, %get3A_113] : memref<8x65536xf32, #tpu.memory_space<vmem>>, vector<8x237xf32>
    %swap3A_115 = arith.constant 0 : index
    %swap3A_116 = arith.constant 4693 : index
    %swap3A_117 = vector.load %arg2[%swap3A_115, %swap3A_116] : memref<8x32896xf32, #tpu.memory_space<vmem>>, vector<8x237xf32>
    tpu.vector_store %arg2[%swap3A_115, %swap3A_116], %get3A_114 {strides = array<i32>} : memref<8x32896xf32, #tpu.memory_space<vmem>>, vector<8x237xf32>,
    %get3A_118 = arith.constant 0 : index
    %get3A_119 = arith.constant 5140 : index
    %get3A_120 = vector.load %arg1[%get3A_118, %get3A_119] : memref<8x65536xf32, #tpu.memory_space<vmem>>, vector<8x236xf32>
    %swap3A_121 = arith.constant 0 : index
    %swap3A_122 = arith.constant 4930 : index
    %swap3A_123 = vector.load %arg2[%swap3A_121, %swap3A_122] : memref<8x32896xf32, #tpu.memory_space<vmem>>, vector<8x236xf32>
    tpu.vector_store %arg2[%swap3A_121, %swap3A_122], %get3A_120 {strides = array<i32>} : memref<8x32896xf32, #tpu.memory_space<vmem>>, vector<8x236xf32>,
    %get3A_124 = arith.constant 0 : index
    %get3A_125 = arith.constant 5397 : index
    %get3A_126 = vector.load %arg1[%get3A_124, %get3A_125] : memref<8x65536xf32, #tpu.memory_space<vmem>>, vector<8x235xf32>
    %swap3A_127 = arith.constant 0 : index
    %swap3A_128 = arith.constant 5166 : index
    %swap3A_129 = vector.load %arg2[%swap3A_127, %swap3A_128] : memref<8x32896xf32, #tpu.memory_space<vmem>>, vector<8x235xf32>
    tpu.vector_store %arg2[%swap3A_127, %swap3A_128], %get3A_126 {strides = array<i32>} : memref<8x32896xf32, #tpu.memory_space<vmem>>, vector<8x235xf32>,
    %get3A_130 = arith.constant 0 : index
    %get3A_131 = arith.constant 5654 : index
    %get3A_132 = vector.load %arg1[%get3A_130, %get3A_131] : memref<8x65536xf32, #tpu.memory_space<vmem>>, vector<8x234xf32>
    %swap3A_133 = arith.constant 0 : index
    %swap3A_134 = arith.constant 5401 : index
    %swap3A_135 = vector.load %arg2[%swap3A_133, %swap3A_134] : memref<8x32896xf32, #tpu.memory_space<vmem>>, vector<8x234xf32>
    tpu.vector_store %arg2[%swap3A_133, %swap3A_134], %get3A_132 {strides = array<i32>} : memref<8x32896xf32, #tpu.memory_space<vmem>>, vector<8x234xf32>,
    %get3A_136 = arith.constant 0 : index
    %get3A_137 = arith.constant 5911 : index
    %get3A_138 = vector.load %arg1[%get3A_136, %get3A_137] : memref<8x65536xf32, #tpu.memory_space<vmem>>, vector<8x233xf32>
    %swap3A_139 = arith.constant 0 : index
    %swap3A_140 = arith.constant 5635 : index
    %swap3A_141 = vector.load %arg2[%swap3A_139, %swap3A_140] : memref<8x32896xf32, #tpu.memory_space<vmem>>, vector<8x233xf32>
    tpu.vector_store %arg2[%swap3A_139, %swap3A_140], %get3A_138 {strides = array<i32>} : memref<8x32896xf32, #tpu.memory_space<vmem>>, vector<8x233xf32>,
    %get3A_142 = arith.constant 0 : index
    %get3A_143 = arith.constant 6168 : index
    %get3A_144 = vector.load %arg1[%get3A_142, %get3A_143] : memref<8x65536xf32, #tpu.memory_space<vmem>>, vector<8x232xf32>
    %swap3A_145 = arith.constant 0 : index
    %swap3A_146 = arith.constant 5868 : index
    %swap3A_147 = vector.load %arg2[%swap3A_145, %swap3A_146] : memref<8x32896xf32, #tpu.memory_space<vmem>>, vector<8x232xf32>
    tpu.vector_store %arg2[%swap3A_145, %swap3A_146], %get3A_144 {strides = array<i32>} : memref<8x32896xf32, #tpu.memory_space<vmem>>, vector<8x232xf32>,
    %get3A_148 = arith.constant 0 : index
    %get3A_149 = arith.constant 6425 : index
    %get3A_150 = vector.load %arg1[%get3A_148, %get3A_149] : memref<8x65536xf32, #tpu.memory_space<vmem>>, vector<8x231xf32>
    %swap3A_151 = arith.constant 0 : index
    %swap3A_152 = arith.constant 6100 : index
    %swap3A_153 = vector.load %arg2[%swap3A_151, %swap3A_152] : memref<8x32896xf32, #tpu.memory_space<vmem>>, vector<8x231xf32>
    tpu.vector_store %arg2[%swap3A_151, %swap3A_152], %get3A_150 {strides = array<i32>} : memref<8x32896xf32, #tpu.memory_space<vmem>>, vector<8x231xf32>,
    %get3A_154 = arith.constant 0 : index
    %get3A_155 = arith.constant 6682 : index
    %get3A_156 = vector.load %arg1[%get3A_154, %get3A_155] : memref<8x65536xf32, #tpu.memory_space<vmem>>, vector<8x230xf32>
    %swap3A_157 = arith.constant 0 : index
    %swap3A_158 = arith.constant 6331 : index
    %swap3A_159 = vector.load %arg2[%swap3A_157, %swap3A_158] : memref<8x32896xf32, #tpu.memory_space<vmem>>, vector<8x230xf32>
    tpu.vector_store %arg2[%swap3A_157, %swap3A_158], %get3A_156 {strides = array<i32>} : memref<8x32896xf32, #tpu.memory_space<vmem>>, vector<8x230xf32>,
    %get3A_160 = arith.constant 0 : index
    %get3A_161 = arith.constant 6939 : index
    %get3A_162 = vector.load %arg1[%get3A_160, %get3A_161] : memref<8x65536xf32, #tpu.memory_space<vmem>>, vector<8x229xf32>
    %swap3A_163 = arith.constant 0 : index
    %swap3A_164 = arith.constant 6561 : index
    %swap3A_165 = vector.load %arg2[%swap3A_163, %swap3A_164] : memref<8x32896xf32, #tpu.memory_space<vmem>>, vector<8x229xf32>
    tpu.vector_store %arg2[%swap3A_163, %swap3A_164], %get3A_162 {strides = array<i32>} : memref<8x32896xf32, #tpu.memory_space<vmem>>, vector<8x229xf32>,
    %get3A_166 = arith.constant 0 : index
    %get3A_167 = arith.constant 7196 : index
    %get3A_168 = vector.load %arg1[%get3A_166, %get3A_167] : memref<8x65536xf32, #tpu.memory_space<vmem>>, vector<8x228xf32>
    %swap3A_169 = arith.constant 0 : index
    %swap3A_170 = arith.constant 6790 : index
    %swap3A_171 = vector.load %arg2[%swap3A_169, %swap3A_170] : memref<8x32896xf32, #tpu.memory_space<vmem>>, vector<8x228xf32>
    tpu.vector_store %arg2[%swap3A_169, %swap3A_170], %get3A_168 {strides = array<i32>} : memref<8x32896xf32, #tpu.memory_space<vmem>>, vector<8x228xf32>,
    %get3A_172 = arith.constant 0 : index
    %get3A_173 = arith.constant 7453 : index
    %get3A_174 = vector.load %arg1[%get3A_172, %get3A_173] : memref<8x65536xf32, #tpu.memory_space<vmem>>, vector<8x227xf32>
    %swap3A_175 = arith.constant 0 : index
    %swap3A_176 = arith.constant 7018 : index
    %swap3A_177 = vector.load %arg2[%swap3A_175, %swap3A_176] : memref<8x32896xf32, #tpu.memory_space<vmem>>, vector<8x227xf32>
    tpu.vector_store %arg2[%swap3A_175, %swap3A_176], %get3A_174 {strides = array<i32>} : memref<8x32896xf32, #tpu.memory_space<vmem>>, vector<8x227xf32>,
    %get3A_178 = arith.constant 0 : index
    %get3A_179 = arith.constant 7710 : index
    %get3A_180 = vector.load %arg1[%get3A_178, %get3A_179] : memref<8x65536xf32, #tpu.memory_space<vmem>>, vector<8x226xf32>
    %swap3A_181 = arith.constant 0 : index
    %swap3A_182 = arith.constant 7245 : index
    %swap3A_183 = vector.load %arg2[%swap3A_181, %swap3A_182] : memref<8x32896xf32, #tpu.memory_space<vmem>>, vector<8x226xf32>
    tpu.vector_store %arg2[%swap3A_181, %swap3A_182], %get3A_180 {strides = array<i32>} : memref<8x32896xf32, #tpu.memory_space<vmem>>, vector<8x226xf32>,
    %get3A_184 = arith.constant 0 : index
    %get3A_185 = arith.constant 7967 : index
    %get3A_186 = vector.load %arg1[%get3A_184, %get3A_185] : memref<8x65536xf32, #tpu.memory_space<vmem>>, vector<8x225xf32>
    %swap3A_187 = arith.constant 0 : index
    %swap3A_188 = arith.constant 7471 : index
    %swap3A_189 = vector.load %arg2[%swap3A_187, %swap3A_188] : memref<8x32896xf32, #tpu.memory_space<vmem>>, vector<8x225xf32>
    tpu.vector_store %arg2[%swap3A_187, %swap3A_188], %get3A_186 {strides = array<i32>} : memref<8x32896xf32, #tpu.memory_space<vmem>>, vector<8x225xf32>,
    %get3A_190 = arith.constant 0 : index
    %get3A_191 = arith.constant 8224 : index
    %get3A_192 = vector.load %arg1[%get3A_190, %get3A_191] : memref<8x65536xf32, #tpu.memory_space<vmem>>, vector<8x224xf32>
    %swap3A_193 = arith.constant 0 : index
    %swap3A_194 = arith.constant 7696 : index
    %swap3A_195 = vector.load %arg2[%swap3A_193, %swap3A_194] : memref<8x32896xf32, #tpu.memory_space<vmem>>, vector<8x224xf32>
    tpu.vector_store %arg2[%swap3A_193, %swap3A_194], %get3A_192 {strides = array<i32>} : memref<8x32896xf32, #tpu.memory_space<vmem>>, vector<8x224xf32>,
    %get3A_196 = arith.constant 0 : index
    %get3A_197 = arith.constant 8481 : index
    %get3A_198 = vector.load %arg1[%get3A_196, %get3A_197] : memref<8x65536xf32, #tpu.memory_space<vmem>>, vector<8x223xf32>
    %swap3A_199 = arith.constant 0 : index
    %swap3A_200 = arith.constant 7920 : index
    %swap3A_201 = vector.load %arg2[%swap3A_199, %swap3A_200] : memref<8x32896xf32, #tpu.memory_space<vmem>>, vector<8x223xf32>
    tpu.vector_store %arg2[%swap3A_199, %swap3A_200], %get3A_198 {strides = array<i32>} : memref<8x32896xf32, #tpu.memory_space<vmem>>, vector<8x223xf32>,
    %get3A_202 = arith.constant 0 : index
    %get3A_203 = arith.constant 8738 : index
    %get3A_204 = vector.load %arg1[%get3A_202, %get3A_203] : memref<8x65536xf32, #tpu.memory_space<vmem>>, vector<8x222xf32>
    %swap3A_205 = arith.constant 0 : index
    %swap3A_206 = arith.constant 8143 : index
    %swap3A_207 = vector.load %arg2[%swap3A_205, %swap3A_206] : memref<8x32896xf32, #tpu.memory_space<vmem>>, vector<8x222xf32>
    tpu.vector_store %arg2[%swap3A_205, %swap3A_206], %get3A_204 {strides = array<i32>} : memref<8x32896xf32, #tpu.memory_space<vmem>>, vector<8x222xf32>,
    %get3A_208 = arith.constant 0 : index
    %get3A_209 = arith.constant 8995 : index
    %get3A_210 = vector.load %arg1[%get3A_208, %get3A_209] : memref<8x65536xf32, #tpu.memory_space<vmem>>, vector<8x221xf32>
    %swap3A_211 = arith.constant 0 : index
    %swap3A_212 = arith.constant 8365 : index
    %swap3A_213 = vector.load %arg2[%swap3A_211, %swap3A_212] : memref<8x32896xf32, #tpu.memory_space<vmem>>, vector<8x221xf32>
    tpu.vector_store %arg2[%swap3A_211, %swap3A_212], %get3A_210 {strides = array<i32>} : memref<8x32896xf32, #tpu.memory_space<vmem>>, vector<8x221xf32>,
    %get3A_214 = arith.constant 0 : index
    %get3A_215 = arith.constant 9252 : index
    %get3A_216 = vector.load %arg1[%get3A_214, %get3A_215] : memref<8x65536xf32, #tpu.memory_space<vmem>>, vector<8x220xf32>
    %swap3A_217 = arith.constant 0 : index
    %swap3A_218 = arith.constant 8586 : index
    %swap3A_219 = vector.load %arg2[%swap3A_217, %swap3A_218] : memref<8x32896xf32, #tpu.memory_space<vmem>>, vector<8x220xf32>
    tpu.vector_store %arg2[%swap3A_217, %swap3A_218], %get3A_216 {strides = array<i32>} : memref<8x32896xf32, #tpu.memory_space<vmem>>, vector<8x220xf32>,
    %get3A_220 = arith.constant 0 : index
    %get3A_221 = arith.constant 9509 : index
    %get3A_222 = vector.load %arg1[%get3A_220, %get3A_221] : memref<8x65536xf32, #tpu.memory_space<vmem>>, vector<8x219xf32>
    %swap3A_223 = arith.constant 0 : index
    %swap3A_224 = arith.constant 8806 : index
    %swap3A_225 = vector.load %arg2[%swap3A_223, %swap3A_224] : memref<8x32896xf32, #tpu.memory_space<vmem>>, vector<8x219xf32>
    tpu.vector_store %arg2[%swap3A_223, %swap3A_224], %get3A_222 {strides = array<i32>} : memref<8x32896xf32, #tpu.memory_space<vmem>>, vector<8x219xf32>,
    %get3A_226 = arith.constant 0 : index
    %get3A_227 = arith.constant 9766 : index
    %get3A_228 = vector.load %arg1[%get3A_226, %get3A_227] : memref<8x65536xf32, #tpu.memory_space<vmem>>, vector<8x218xf32>
    %swap3A_229 = arith.constant 0 : index
    %swap3A_230 = arith.constant 9025 : index
    %swap3A_231 = vector.load %arg2[%swap3A_229, %swap3A_230] : memref<8x32896xf32, #tpu.memory_space<vmem>>, vector<8x218xf32>
    tpu.vector_store %arg2[%swap3A_229, %swap3A_230], %get3A_228 {strides = array<i32>} : memref<8x32896xf32, #tpu.memory_space<vmem>>, vector<8x218xf32>,
    %get3A_232 = arith.constant 0 : index
    %get3A_233 = arith.constant 10023 : index
    %get3A_234 = vector.load %arg1[%get3A_232, %get3A_233] : memref<8x65536xf32, #tpu.memory_space<vmem>>, vector<8x217xf32>
    %swap3A_235 = arith.constant 0 : index
    %swap3A_236 = arith.constant 9243 : index
    %swap3A_237 = vector.load %arg2[%swap3A_235, %swap3A_236] : memref<8x32896xf32, #tpu.memory_space<vmem>>, vector<8x217xf32>
    tpu.vector_store %arg2[%swap3A_235, %swap3A_236], %get3A_234 {strides = array<i32>} : memref<8x32896xf32, #tpu.memory_space<vmem>>, vector<8x217xf32>,
    %get3A_238 = arith.constant 0 : index
    %get3A_239 = arith.constant 10280 : index
    %get3A_240 = vector.load %arg1[%get3A_238, %get3A_239] : memref<8x65536xf32, #tpu.memory_space<vmem>>, vector<8x216xf32>
    %swap3A_241 = arith.constant 0 : index
    %swap3A_242 = arith.constant 9460 : index
    %swap3A_243 = vector.load %arg2[%swap3A_241, %swap3A_242] : memref<8x32896xf32, #tpu.memory_space<vmem>>, vector<8x216xf32>
    tpu.vector_store %arg2[%swap3A_241, %swap3A_242], %get3A_240 {strides = array<i32>} : memref<8x32896xf32, #tpu.memory_space<vmem>>, vector<8x216xf32>,
    %get3A_244 = arith.constant 0 : index
    %get3A_245 = arith.constant 10537 : index
    %get3A_246 = vector.load %arg1[%get3A_244, %get3A_245] : memref<8x65536xf32, #tpu.memory_space<vmem>>, vector<8x215xf32>
    %swap3A_247 = arith.constant 0 : index
    %swap3A_248 = arith.constant 9676 : index
    %swap3A_249 = vector.load %arg2[%swap3A_247, %swap3A_248] : memref<8x32896xf32, #tpu.memory_space<vmem>>, vector<8x215xf32>
    tpu.vector_store %arg2[%swap3A_247, %swap3A_248], %get3A_246 {strides = array<i32>} : memref<8x32896xf32, #tpu.memory_space<vmem>>, vector<8x215xf32>,
    %get3A_250 = arith.constant 0 : index
    %get3A_251 = arith.constant 10794 : index
    %get3A_252 = vector.load %arg1[%get3A_250, %get3A_251] : memref<8x65536xf32, #tpu.memory_space<vmem>>, vector<8x214xf32>
    %swap3A_253 = arith.constant 0 : index
    %swap3A_254 = arith.constant 9891 : index
    %swap3A_255 = vector.load %arg2[%swap3A_253, %swap3A_254] : memref<8x32896xf32, #tpu.memory_space<vmem>>, vector<8x214xf32>
    tpu.vector_store %arg2[%swap3A_253, %swap3A_254], %get3A_252 {strides = array<i32>} : memref<8x32896xf32, #tpu.memory_space<vmem>>, vector<8x214xf32>,
    %get3A_256 = arith.constant 0 : index
    %get3A_257 = arith.constant 11051 : index
    %get3A_258 = vector.load %arg1[%get3A_256, %get3A_257] : memref<8x65536xf32, #tpu.memory_space<vmem>>, vector<8x213xf32>
    %swap3A_259 = arith.constant 0 : index
    %swap3A_260 = arith.constant 10105 : index
    %swap3A_261 = vector.load %arg2[%swap3A_259, %swap3A_260] : memref<8x32896xf32, #tpu.memory_space<vmem>>, vector<8x213xf32>
    tpu.vector_store %arg2[%swap3A_259, %swap3A_260], %get3A_258 {strides = array<i32>} : memref<8x32896xf32, #tpu.memory_space<vmem>>, vector<8x213xf32>,
    %get3A_262 = arith.constant 0 : index
    %get3A_263 = arith.constant 11308 : index
    %get3A_264 = vector.load %arg1[%get3A_262, %get3A_263] : memref<8x65536xf32, #tpu.memory_space<vmem>>, vector<8x212xf32>
    %swap3A_265 = arith.constant 0 : index
    %swap3A_266 = arith.constant 10318 : index
    %swap3A_267 = vector.load %arg2[%swap3A_265, %swap3A_266] : memref<8x32896xf32, #tpu.memory_space<vmem>>, vector<8x212xf32>
    tpu.vector_store %arg2[%swap3A_265, %swap3A_266], %get3A_264 {strides = array<i32>} : memref<8x32896xf32, #tpu.memory_space<vmem>>, vector<8x212xf32>,
    %get3A_268 = arith.constant 0 : index
    %get3A_269 = arith.constant 11565 : index
    %get3A_270 = vector.load %arg1[%get3A_268, %get3A_269] : memref<8x65536xf32, #tpu.memory_space<vmem>>, vector<8x211xf32>
    %swap3A_271 = arith.constant 0 : index
    %swap3A_272 = arith.constant 10530 : index
    %swap3A_273 = vector.load %arg2[%swap3A_271, %swap3A_272] : memref<8x32896xf32, #tpu.memory_space<vmem>>, vector<8x211xf32>
    tpu.vector_store %arg2[%swap3A_271, %swap3A_272], %get3A_270 {strides = array<i32>} : memref<8x32896xf32, #tpu.memory_space<vmem>>, vector<8x211xf32>,
    %get3A_274 = arith.constant 0 : index
    %get3A_275 = arith.constant 11822 : index
    %get3A_276 = vector.load %arg1[%get3A_274, %get3A_275] : memref<8x65536xf32, #tpu.memory_space<vmem>>, vector<8x210xf32>
    %swap3A_277 = arith.constant 0 : index
    %swap3A_278 = arith.constant 10741 : index
    %swap3A_279 = vector.load %arg2[%swap3A_277, %swap3A_278] : memref<8x32896xf32, #tpu.memory_space<vmem>>, vector<8x210xf32>
    tpu.vector_store %arg2[%swap3A_277, %swap3A_278], %get3A_276 {strides = array<i32>} : memref<8x32896xf32, #tpu.memory_space<vmem>>, vector<8x210xf32>,
    %get3A_280 = arith.constant 0 : index
    %get3A_281 = arith.constant 12079 : index
    %get3A_282 = vector.load %arg1[%get3A_280, %get3A_281] : memref<8x65536xf32, #tpu.memory_space<vmem>>, vector<8x209xf32>
    %swap3A_283 = arith.constant 0 : index
    %swap3A_284 = arith.constant 10951 : index
    %swap3A_285 = vector.load %arg2[%swap3A_283, %swap3A_284] : memref<8x32896xf32, #tpu.memory_space<vmem>>, vector<8x209xf32>
    tpu.vector_store %arg2[%swap3A_283, %swap3A_284], %get3A_282 {strides = array<i32>} : memref<8x32896xf32, #tpu.memory_space<vmem>>, vector<8x209xf32>,
    %get3A_286 = arith.constant 0 : index
    %get3A_287 = arith.constant 12336 : index
    %get3A_288 = vector.load %arg1[%get3A_286, %get3A_287] : memref<8x65536xf32, #tpu.memory_space<vmem>>, vector<8x208xf32>
    %swap3A_289 = arith.constant 0 : index
    %swap3A_290 = arith.constant 11160 : index
    %swap3A_291 = vector.load %arg2[%swap3A_289, %swap3A_290] : memref<8x32896xf32, #tpu.memory_space<vmem>>, vector<8x208xf32>
    tpu.vector_store %arg2[%swap3A_289, %swap3A_290], %get3A_288 {strides = array<i32>} : memref<8x32896xf32, #tpu.memory_space<vmem>>, vector<8x208xf32>,
    %get3A_292 = arith.constant 0 : index
    %get3A_293 = arith.constant 12593 : index
    %get3A_294 = vector.load %arg1[%get3A_292, %get3A_293] : memref<8x65536xf32, #tpu.memory_space<vmem>>, vector<8x207xf32>
    %swap3A_295 = arith.constant 0 : index
    %swap3A_296 = arith.constant 11368 : index
    %swap3A_297 = vector.load %arg2[%swap3A_295, %swap3A_296] : memref<8x32896xf32, #tpu.memory_space<vmem>>, vector<8x207xf32>
    tpu.vector_store %arg2[%swap3A_295, %swap3A_296], %get3A_294 {strides = array<i32>} : memref<8x32896xf32, #tpu.memory_space<vmem>>, vector<8x207xf32>,
    %get3A_298 = arith.constant 0 : index
    %get3A_299 = arith.constant 12850 : index
    %get3A_300 = vector.load %arg1[%get3A_298, %get3A_299] : memref<8x65536xf32, #tpu.memory_space<vmem>>, vector<8x206xf32>
    %swap3A_301 = arith.constant 0 : index
    %swap3A_302 = arith.constant 11575 : index
    %swap3A_303 = vector.load %arg2[%swap3A_301, %swap3A_302] : memref<8x32896xf32, #tpu.memory_space<vmem>>, vector<8x206xf32>
    tpu.vector_store %arg2[%swap3A_301, %swap3A_302], %get3A_300 {strides = array<i32>} : memref<8x32896xf32, #tpu.memory_space<vmem>>, vector<8x206xf32>,
    %get3A_304 = arith.constant 0 : index
    %get3A_305 = arith.constant 13107 : index
    %get3A_306 = vector.load %arg1[%get3A_304, %get3A_305] : memref<8x65536xf32, #tpu.memory_space<vmem>>, vector<8x205xf32>
    %swap3A_307 = arith.constant 0 : index
    %swap3A_308 = arith.constant 11781 : index
    %swap3A_309 = vector.load %arg2[%swap3A_307, %swap3A_308] : memref<8x32896xf32, #tpu.memory_space<vmem>>, vector<8x205xf32>
    tpu.vector_store %arg2[%swap3A_307, %swap3A_308], %get3A_306 {strides = array<i32>} : memref<8x32896xf32, #tpu.memory_space<vmem>>, vector<8x205xf32>,
    %get3A_310 = arith.constant 0 : index
    %get3A_311 = arith.constant 13364 : index
    %get3A_312 = vector.load %arg1[%get3A_310, %get3A_311] : memref<8x65536xf32, #tpu.memory_space<vmem>>, vector<8x204xf32>
    %swap3A_313 = arith.constant 0 : index
    %swap3A_314 = arith.constant 11986 : index
    %swap3A_315 = vector.load %arg2[%swap3A_313, %swap3A_314] : memref<8x32896xf32, #tpu.memory_space<vmem>>, vector<8x204xf32>
    tpu.vector_store %arg2[%swap3A_313, %swap3A_314], %get3A_312 {strides = array<i32>} : memref<8x32896xf32, #tpu.memory_space<vmem>>, vector<8x204xf32>,
    %get3A_316 = arith.constant 0 : index
    %get3A_317 = arith.constant 13621 : index
    %get3A_318 = vector.load %arg1[%get3A_316, %get3A_317] : memref<8x65536xf32, #tpu.memory_space<vmem>>, vector<8x203xf32>
    %swap3A_319 = arith.constant 0 : index
    %swap3A_320 = arith.constant 12190 : index
    %swap3A_321 = vector.load %arg2[%swap3A_319, %swap3A_320] : memref<8x32896xf32, #tpu.memory_space<vmem>>, vector<8x203xf32>
    tpu.vector_store %arg2[%swap3A_319, %swap3A_320], %get3A_318 {strides = array<i32>} : memref<8x32896xf32, #tpu.memory_space<vmem>>, vector<8x203xf32>,
    %get3A_322 = arith.constant 0 : index
    %get3A_323 = arith.constant 13878 : index
    %get3A_324 = vector.load %arg1[%get3A_322, %get3A_323] : memref<8x65536xf32, #tpu.memory_space<vmem>>, vector<8x202xf32>
    %swap3A_325 = arith.constant 0 : index
    %swap3A_326 = arith.constant 12393 : index
    %swap3A_327 = vector.load %arg2[%swap3A_325, %swap3A_326] : memref<8x32896xf32, #tpu.memory_space<vmem>>, vector<8x202xf32>
    tpu.vector_store %arg2[%swap3A_325, %swap3A_326], %get3A_324 {strides = array<i32>} : memref<8x32896xf32, #tpu.memory_space<vmem>>, vector<8x202xf32>,
    %get3A_328 = arith.constant 0 : index
    %get3A_329 = arith.constant 14135 : index
    %get3A_330 = vector.load %arg1[%get3A_328, %get3A_329] : memref<8x65536xf32, #tpu.memory_space<vmem>>, vector<8x201xf32>
    %swap3A_331 = arith.constant 0 : index
    %swap3A_332 = arith.constant 12595 : index
    %swap3A_333 = vector.load %arg2[%swap3A_331, %swap3A_332] : memref<8x32896xf32, #tpu.memory_space<vmem>>, vector<8x201xf32>
    tpu.vector_store %arg2[%swap3A_331, %swap3A_332], %get3A_330 {strides = array<i32>} : memref<8x32896xf32, #tpu.memory_space<vmem>>, vector<8x201xf32>,
    %get3A_334 = arith.constant 0 : index
    %get3A_335 = arith.constant 14392 : index
    %get3A_336 = vector.load %arg1[%get3A_334, %get3A_335] : memref<8x65536xf32, #tpu.memory_space<vmem>>, vector<8x200xf32>
    %swap3A_337 = arith.constant 0 : index
    %swap3A_338 = arith.constant 12796 : index
    %swap3A_339 = vector.load %arg2[%swap3A_337, %swap3A_338] : memref<8x32896xf32, #tpu.memory_space<vmem>>, vector<8x200xf32>
    tpu.vector_store %arg2[%swap3A_337, %swap3A_338], %get3A_336 {strides = array<i32>} : memref<8x32896xf32, #tpu.memory_space<vmem>>, vector<8x200xf32>,
    %get3A_340 = arith.constant 0 : index
    %get3A_341 = arith.constant 14649 : index
    %get3A_342 = vector.load %arg1[%get3A_340, %get3A_341] : memref<8x65536xf32, #tpu.memory_space<vmem>>, vector<8x199xf32>
    %swap3A_343 = arith.constant 0 : index
    %swap3A_344 = arith.constant 12996 : index
    %swap3A_345 = vector.load %arg2[%swap3A_343, %swap3A_344] : memref<8x32896xf32, #tpu.memory_space<vmem>>, vector<8x199xf32>
    tpu.vector_store %arg2[%swap3A_343, %swap3A_344], %get3A_342 {strides = array<i32>} : memref<8x32896xf32, #tpu.memory_space<vmem>>, vector<8x199xf32>,
    %get3A_346 = arith.constant 0 : index
    %get3A_347 = arith.constant 14906 : index
    %get3A_348 = vector.load %arg1[%get3A_346, %get3A_347] : memref<8x65536xf32, #tpu.memory_space<vmem>>, vector<8x198xf32>
    %swap3A_349 = arith.constant 0 : index
    %swap3A_350 = arith.constant 13195 : index
    %swap3A_351 = vector.load %arg2[%swap3A_349, %swap3A_350] : memref<8x32896xf32, #tpu.memory_space<vmem>>, vector<8x198xf32>
    tpu.vector_store %arg2[%swap3A_349, %swap3A_350], %get3A_348 {strides = array<i32>} : memref<8x32896xf32, #tpu.memory_space<vmem>>, vector<8x198xf32>,
    %get3A_352 = arith.constant 0 : index
    %get3A_353 = arith.constant 15163 : index
    %get3A_354 = vector.load %arg1[%get3A_352, %get3A_353] : memref<8x65536xf32, #tpu.memory_space<vmem>>, vector<8x197xf32>
    %swap3A_355 = arith.constant 0 : index
    %swap3A_356 = arith.constant 13393 : index
    %swap3A_357 = vector.load %arg2[%swap3A_355, %swap3A_356] : memref<8x32896xf32, #tpu.memory_space<vmem>>, vector<8x197xf32>
    tpu.vector_store %arg2[%swap3A_355, %swap3A_356], %get3A_354 {strides = array<i32>} : memref<8x32896xf32, #tpu.memory_space<vmem>>, vector<8x197xf32>,
    %get3A_358 = arith.constant 0 : index
    %get3A_359 = arith.constant 15420 : index
    %get3A_360 = vector.load %arg1[%get3A_358, %get3A_359] : memref<8x65536xf32, #tpu.memory_space<vmem>>, vector<8x196xf32>
    %swap3A_361 = arith.constant 0 : index
    %swap3A_362 = arith.constant 13590 : index
    %swap3A_363 = vector.load %arg2[%swap3A_361, %swap3A_362] : memref<8x32896xf32, #tpu.memory_space<vmem>>, vector<8x196xf32>
    tpu.vector_store %arg2[%swap3A_361, %swap3A_362], %get3A_360 {strides = array<i32>} : memref<8x32896xf32, #tpu.memory_space<vmem>>, vector<8x196xf32>,
    %get3A_364 = arith.constant 0 : index
    %get3A_365 = arith.constant 15677 : index
    %get3A_366 = vector.load %arg1[%get3A_364, %get3A_365] : memref<8x65536xf32, #tpu.memory_space<vmem>>, vector<8x195xf32>
    %swap3A_367 = arith.constant 0 : index
    %swap3A_368 = arith.constant 13786 : index
    %swap3A_369 = vector.load %arg2[%swap3A_367, %swap3A_368] : memref<8x32896xf32, #tpu.memory_space<vmem>>, vector<8x195xf32>
    tpu.vector_store %arg2[%swap3A_367, %swap3A_368], %get3A_366 {strides = array<i32>} : memref<8x32896xf32, #tpu.memory_space<vmem>>, vector<8x195xf32>,
    %get3A_370 = arith.constant 0 : index
    %get3A_371 = arith.constant 15934 : index
    %get3A_372 = vector.load %arg1[%get3A_370, %get3A_371] : memref<8x65536xf32, #tpu.memory_space<vmem>>, vector<8x194xf32>
    %swap3A_373 = arith.constant 0 : index
    %swap3A_374 = arith.constant 13981 : index
    %swap3A_375 = vector.load %arg2[%swap3A_373, %swap3A_374] : memref<8x32896xf32, #tpu.memory_space<vmem>>, vector<8x194xf32>
    tpu.vector_store %arg2[%swap3A_373, %swap3A_374], %get3A_372 {strides = array<i32>} : memref<8x32896xf32, #tpu.memory_space<vmem>>, vector<8x194xf32>,
    %get3A_376 = arith.constant 0 : index
    %get3A_377 = arith.constant 16191 : index
    %get3A_378 = vector.load %arg1[%get3A_376, %get3A_377] : memref<8x65536xf32, #tpu.memory_space<vmem>>, vector<8x193xf32>
    %swap3A_379 = arith.constant 0 : index
    %swap3A_380 = arith.constant 14175 : index
    %swap3A_381 = vector.load %arg2[%swap3A_379, %swap3A_380] : memref<8x32896xf32, #tpu.memory_space<vmem>>, vector<8x193xf32>
    tpu.vector_store %arg2[%swap3A_379, %swap3A_380], %get3A_378 {strides = array<i32>} : memref<8x32896xf32, #tpu.memory_space<vmem>>, vector<8x193xf32>,
    %get3A_382 = arith.constant 0 : index
    %get3A_383 = arith.constant 16448 : index
    %get3A_384 = vector.load %arg1[%get3A_382, %get3A_383] : memref<8x65536xf32, #tpu.memory_space<vmem>>, vector<8x192xf32>
    %swap3A_385 = arith.constant 0 : index
    %swap3A_386 = arith.constant 14368 : index
    %swap3A_387 = vector.load %arg2[%swap3A_385, %swap3A_386] : memref<8x32896xf32, #tpu.memory_space<vmem>>, vector<8x192xf32>
    tpu.vector_store %arg2[%swap3A_385, %swap3A_386], %get3A_384 {strides = array<i32>} : memref<8x32896xf32, #tpu.memory_space<vmem>>, vector<8x192xf32>,
    %get3A_388 = arith.constant 0 : index
    %get3A_389 = arith.constant 16705 : index
    %get3A_390 = vector.load %arg1[%get3A_388, %get3A_389] : memref<8x65536xf32, #tpu.memory_space<vmem>>, vector<8x191xf32>
    %swap3A_391 = arith.constant 0 : index
    %swap3A_392 = arith.constant 14560 : index
    %swap3A_393 = vector.load %arg2[%swap3A_391, %swap3A_392] : memref<8x32896xf32, #tpu.memory_space<vmem>>, vector<8x191xf32>
    tpu.vector_store %arg2[%swap3A_391, %swap3A_392], %get3A_390 {strides = array<i32>} : memref<8x32896xf32, #tpu.memory_space<vmem>>, vector<8x191xf32>,
    %get3A_394 = arith.constant 0 : index
    %get3A_395 = arith.constant 16962 : index
    %get3A_396 = vector.load %arg1[%get3A_394, %get3A_395] : memref<8x65536xf32, #tpu.memory_space<vmem>>, vector<8x190xf32>
    %swap3A_397 = arith.constant 0 : index
    %swap3A_398 = arith.constant 14751 : index
    %swap3A_399 = vector.load %arg2[%swap3A_397, %swap3A_398] : memref<8x32896xf32, #tpu.memory_space<vmem>>, vector<8x190xf32>
    tpu.vector_store %arg2[%swap3A_397, %swap3A_398], %get3A_396 {strides = array<i32>} : memref<8x32896xf32, #tpu.memory_space<vmem>>, vector<8x190xf32>,
    %get3A_400 = arith.constant 0 : index
    %get3A_401 = arith.constant 17219 : index
    %get3A_402 = vector.load %arg1[%get3A_400, %get3A_401] : memref<8x65536xf32, #tpu.memory_space<vmem>>, vector<8x189xf32>
    %swap3A_403 = arith.constant 0 : index
    %swap3A_404 = arith.constant 14941 : index
    %swap3A_405 = vector.load %arg2[%swap3A_403, %swap3A_404] : memref<8x32896xf32, #tpu.memory_space<vmem>>, vector<8x189xf32>
    tpu.vector_store %arg2[%swap3A_403, %swap3A_404], %get3A_402 {strides = array<i32>} : memref<8x32896xf32, #tpu.memory_space<vmem>>, vector<8x189xf32>,
    %get3A_406 = arith.constant 0 : index
    %get3A_407 = arith.constant 17476 : index
    %get3A_408 = vector.load %arg1[%get3A_406, %get3A_407] : memref<8x65536xf32, #tpu.memory_space<vmem>>, vector<8x188xf32>
    %swap3A_409 = arith.constant 0 : index
    %swap3A_410 = arith.constant 15130 : index
    %swap3A_411 = vector.load %arg2[%swap3A_409, %swap3A_410] : memref<8x32896xf32, #tpu.memory_space<vmem>>, vector<8x188xf32>
    tpu.vector_store %arg2[%swap3A_409, %swap3A_410], %get3A_408 {strides = array<i32>} : memref<8x32896xf32, #tpu.memory_space<vmem>>, vector<8x188xf32>,
    %get3A_412 = arith.constant 0 : index
    %get3A_413 = arith.constant 17733 : index
    %get3A_414 = vector.load %arg1[%get3A_412, %get3A_413] : memref<8x65536xf32, #tpu.memory_space<vmem>>, vector<8x187xf32>
    %swap3A_415 = arith.constant 0 : index
    %swap3A_416 = arith.constant 15318 : index
    %swap3A_417 = vector.load %arg2[%swap3A_415, %swap3A_416] : memref<8x32896xf32, #tpu.memory_space<vmem>>, vector<8x187xf32>
    tpu.vector_store %arg2[%swap3A_415, %swap3A_416], %get3A_414 {strides = array<i32>} : memref<8x32896xf32, #tpu.memory_space<vmem>>, vector<8x187xf32>,
    %get3A_418 = arith.constant 0 : index
    %get3A_419 = arith.constant 17990 : index
    %get3A_420 = vector.load %arg1[%get3A_418, %get3A_419] : memref<8x65536xf32, #tpu.memory_space<vmem>>, vector<8x186xf32>
    %swap3A_421 = arith.constant 0 : index
    %swap3A_422 = arith.constant 15505 : index
    %swap3A_423 = vector.load %arg2[%swap3A_421, %swap3A_422] : memref<8x32896xf32, #tpu.memory_space<vmem>>, vector<8x186xf32>
    tpu.vector_store %arg2[%swap3A_421, %swap3A_422], %get3A_420 {strides = array<i32>} : memref<8x32896xf32, #tpu.memory_space<vmem>>, vector<8x186xf32>,
    %get3A_424 = arith.constant 0 : index
    %get3A_425 = arith.constant 18247 : index
    %get3A_426 = vector.load %arg1[%get3A_424, %get3A_425] : memref<8x65536xf32, #tpu.memory_space<vmem>>, vector<8x185xf32>
    %swap3A_427 = arith.constant 0 : index
    %swap3A_428 = arith.constant 15691 : index
    %swap3A_429 = vector.load %arg2[%swap3A_427, %swap3A_428] : memref<8x32896xf32, #tpu.memory_space<vmem>>, vector<8x185xf32>
    tpu.vector_store %arg2[%swap3A_427, %swap3A_428], %get3A_426 {strides = array<i32>} : memref<8x32896xf32, #tpu.memory_space<vmem>>, vector<8x185xf32>,
    %get3A_430 = arith.constant 0 : index
    %get3A_431 = arith.constant 18504 : index
    %get3A_432 = vector.load %arg1[%get3A_430, %get3A_431] : memref<8x65536xf32, #tpu.memory_space<vmem>>, vector<8x184xf32>
    %swap3A_433 = arith.constant 0 : index
    %swap3A_434 = arith.constant 15876 : index
    %swap3A_435 = vector.load %arg2[%swap3A_433, %swap3A_434] : memref<8x32896xf32, #tpu.memory_space<vmem>>, vector<8x184xf32>
    tpu.vector_store %arg2[%swap3A_433, %swap3A_434], %get3A_432 {strides = array<i32>} : memref<8x32896xf32, #tpu.memory_space<vmem>>, vector<8x184xf32>,
    %get3A_436 = arith.constant 0 : index
    %get3A_437 = arith.constant 18761 : index
    %get3A_438 = vector.load %arg1[%get3A_436, %get3A_437] : memref<8x65536xf32, #tpu.memory_space<vmem>>, vector<8x183xf32>
    %swap3A_439 = arith.constant 0 : index
    %swap3A_440 = arith.constant 16060 : index
    %swap3A_441 = vector.load %arg2[%swap3A_439, %swap3A_440] : memref<8x32896xf32, #tpu.memory_space<vmem>>, vector<8x183xf32>
    tpu.vector_store %arg2[%swap3A_439, %swap3A_440], %get3A_438 {strides = array<i32>} : memref<8x32896xf32, #tpu.memory_space<vmem>>, vector<8x183xf32>,
    %get3A_442 = arith.constant 0 : index
    %get3A_443 = arith.constant 19018 : index
    %get3A_444 = vector.load %arg1[%get3A_442, %get3A_443] : memref<8x65536xf32, #tpu.memory_space<vmem>>, vector<8x182xf32>
    %swap3A_445 = arith.constant 0 : index
    %swap3A_446 = arith.constant 16243 : index
    %swap3A_447 = vector.load %arg2[%swap3A_445, %swap3A_446] : memref<8x32896xf32, #tpu.memory_space<vmem>>, vector<8x182xf32>
    tpu.vector_store %arg2[%swap3A_445, %swap3A_446], %get3A_444 {strides = array<i32>} : memref<8x32896xf32, #tpu.memory_space<vmem>>, vector<8x182xf32>,
    %get3A_448 = arith.constant 0 : index
    %get3A_449 = arith.constant 19275 : index
    %get3A_450 = vector.load %arg1[%get3A_448, %get3A_449] : memref<8x65536xf32, #tpu.memory_space<vmem>>, vector<8x181xf32>
    %swap3A_451 = arith.constant 0 : index
    %swap3A_452 = arith.constant 16425 : index
    %swap3A_453 = vector.load %arg2[%swap3A_451, %swap3A_452] : memref<8x32896xf32, #tpu.memory_space<vmem>>, vector<8x181xf32>
    tpu.vector_store %arg2[%swap3A_451, %swap3A_452], %get3A_450 {strides = array<i32>} : memref<8x32896xf32, #tpu.memory_space<vmem>>, vector<8x181xf32>,
    %get3A_454 = arith.constant 0 : index
    %get3A_455 = arith.constant 19532 : index
    %get3A_456 = vector.load %arg1[%get3A_454, %get3A_455] : memref<8x65536xf32, #tpu.memory_space<vmem>>, vector<8x180xf32>
    %swap3A_457 = arith.constant 0 : index
    %swap3A_458 = arith.constant 16606 : index
    %swap3A_459 = vector.load %arg2[%swap3A_457, %swap3A_458] : memref<8x32896xf32, #tpu.memory_space<vmem>>, vector<8x180xf32>
    tpu.vector_store %arg2[%swap3A_457, %swap3A_458], %get3A_456 {strides = array<i32>} : memref<8x32896xf32, #tpu.memory_space<vmem>>, vector<8x180xf32>,
    %get3A_460 = arith.constant 0 : index
    %get3A_461 = arith.constant 19789 : index
    %get3A_462 = vector.load %arg1[%get3A_460, %get3A_461] : memref<8x65536xf32, #tpu.memory_space<vmem>>, vector<8x179xf32>
    %swap3A_463 = arith.constant 0 : index
    %swap3A_464 = arith.constant 16786 : index
    %swap3A_465 = vector.load %arg2[%swap3A_463, %swap3A_464] : memref<8x32896xf32, #tpu.memory_space<vmem>>, vector<8x179xf32>
    tpu.vector_store %arg2[%swap3A_463, %swap3A_464], %get3A_462 {strides = array<i32>} : memref<8x32896xf32, #tpu.memory_space<vmem>>, vector<8x179xf32>,
    %get3A_466 = arith.constant 0 : index
    %get3A_467 = arith.constant 20046 : index
    %get3A_468 = vector.load %arg1[%get3A_466, %get3A_467] : memref<8x65536xf32, #tpu.memory_space<vmem>>, vector<8x178xf32>
    %swap3A_469 = arith.constant 0 : index
    %swap3A_470 = arith.constant 16965 : index
    %swap3A_471 = vector.load %arg2[%swap3A_469, %swap3A_470] : memref<8x32896xf32, #tpu.memory_space<vmem>>, vector<8x178xf32>
    tpu.vector_store %arg2[%swap3A_469, %swap3A_470], %get3A_468 {strides = array<i32>} : memref<8x32896xf32, #tpu.memory_space<vmem>>, vector<8x178xf32>,
    %get3A_472 = arith.constant 0 : index
    %get3A_473 = arith.constant 20303 : index
    %get3A_474 = vector.load %arg1[%get3A_472, %get3A_473] : memref<8x65536xf32, #tpu.memory_space<vmem>>, vector<8x177xf32>
    %swap3A_475 = arith.constant 0 : index
    %swap3A_476 = arith.constant 17143 : index
    %swap3A_477 = vector.load %arg2[%swap3A_475, %swap3A_476] : memref<8x32896xf32, #tpu.memory_space<vmem>>, vector<8x177xf32>
    tpu.vector_store %arg2[%swap3A_475, %swap3A_476], %get3A_474 {strides = array<i32>} : memref<8x32896xf32, #tpu.memory_space<vmem>>, vector<8x177xf32>,
    %get3A_478 = arith.constant 0 : index
    %get3A_479 = arith.constant 20560 : index
    %get3A_480 = vector.load %arg1[%get3A_478, %get3A_479] : memref<8x65536xf32, #tpu.memory_space<vmem>>, vector<8x176xf32>
    %swap3A_481 = arith.constant 0 : index
    %swap3A_482 = arith.constant 17320 : index
    %swap3A_483 = vector.load %arg2[%swap3A_481, %swap3A_482] : memref<8x32896xf32, #tpu.memory_space<vmem>>, vector<8x176xf32>
    tpu.vector_store %arg2[%swap3A_481, %swap3A_482], %get3A_480 {strides = array<i32>} : memref<8x32896xf32, #tpu.memory_space<vmem>>, vector<8x176xf32>,
    %get3A_484 = arith.constant 0 : index
    %get3A_485 = arith.constant 20817 : index
    %get3A_486 = vector.load %arg1[%get3A_484, %get3A_485] : memref<8x65536xf32, #tpu.memory_space<vmem>>, vector<8x175xf32>
    %swap3A_487 = arith.constant 0 : index
    %swap3A_488 = arith.constant 17496 : index
    %swap3A_489 = vector.load %arg2[%swap3A_487, %swap3A_488] : memref<8x32896xf32, #tpu.memory_space<vmem>>, vector<8x175xf32>
    tpu.vector_store %arg2[%swap3A_487, %swap3A_488], %get3A_486 {strides = array<i32>} : memref<8x32896xf32, #tpu.memory_space<vmem>>, vector<8x175xf32>,
    %get3A_490 = arith.constant 0 : index
    %get3A_491 = arith.constant 21074 : index
    %get3A_492 = vector.load %arg1[%get3A_490, %get3A_491] : memref<8x65536xf32, #tpu.memory_space<vmem>>, vector<8x174xf32>
    %swap3A_493 = arith.constant 0 : index
    %swap3A_494 = arith.constant 17671 : index
    %swap3A_495 = vector.load %arg2[%swap3A_493, %swap3A_494] : memref<8x32896xf32, #tpu.memory_space<vmem>>, vector<8x174xf32>
    tpu.vector_store %arg2[%swap3A_493, %swap3A_494], %get3A_492 {strides = array<i32>} : memref<8x32896xf32, #tpu.memory_space<vmem>>, vector<8x174xf32>,
    %get3A_496 = arith.constant 0 : index
    %get3A_497 = arith.constant 21331 : index
    %get3A_498 = vector.load %arg1[%get3A_496, %get3A_497] : memref<8x65536xf32, #tpu.memory_space<vmem>>, vector<8x173xf32>
    %swap3A_499 = arith.constant 0 : index
    %swap3A_500 = arith.constant 17845 : index
    %swap3A_501 = vector.load %arg2[%swap3A_499, %swap3A_500] : memref<8x32896xf32, #tpu.memory_space<vmem>>, vector<8x173xf32>
    tpu.vector_store %arg2[%swap3A_499, %swap3A_500], %get3A_498 {strides = array<i32>} : memref<8x32896xf32, #tpu.memory_space<vmem>>, vector<8x173xf32>,
    %get3A_502 = arith.constant 0 : index
    %get3A_503 = arith.constant 21588 : index
    %get3A_504 = vector.load %arg1[%get3A_502, %get3A_503] : memref<8x65536xf32, #tpu.memory_space<vmem>>, vector<8x172xf32>
    %swap3A_505 = arith.constant 0 : index
    %swap3A_506 = arith.constant 18018 : index
    %swap3A_507 = vector.load %arg2[%swap3A_505, %swap3A_506] : memref<8x32896xf32, #tpu.memory_space<vmem>>, vector<8x172xf32>
    tpu.vector_store %arg2[%swap3A_505, %swap3A_506], %get3A_504 {strides = array<i32>} : memref<8x32896xf32, #tpu.memory_space<vmem>>, vector<8x172xf32>,
    %get3A_508 = arith.constant 0 : index
    %get3A_509 = arith.constant 21845 : index
    %get3A_510 = vector.load %arg1[%get3A_508, %get3A_509] : memref<8x65536xf32, #tpu.memory_space<vmem>>, vector<8x171xf32>
    %swap3A_511 = arith.constant 0 : index
    %swap3A_512 = arith.constant 18190 : index
    %swap3A_513 = vector.load %arg2[%swap3A_511, %swap3A_512] : memref<8x32896xf32, #tpu.memory_space<vmem>>, vector<8x171xf32>
    tpu.vector_store %arg2[%swap3A_511, %swap3A_512], %get3A_510 {strides = array<i32>} : memref<8x32896xf32, #tpu.memory_space<vmem>>, vector<8x171xf32>,
    %get3A_514 = arith.constant 0 : index
    %get3A_515 = arith.constant 22102 : index
    %get3A_516 = vector.load %arg1[%get3A_514, %get3A_515] : memref<8x65536xf32, #tpu.memory_space<vmem>>, vector<8x170xf32>
    %swap3A_517 = arith.constant 0 : index
    %swap3A_518 = arith.constant 18361 : index
    %swap3A_519 = vector.load %arg2[%swap3A_517, %swap3A_518] : memref<8x32896xf32, #tpu.memory_space<vmem>>, vector<8x170xf32>
    tpu.vector_store %arg2[%swap3A_517, %swap3A_518], %get3A_516 {strides = array<i32>} : memref<8x32896xf32, #tpu.memory_space<vmem>>, vector<8x170xf32>,
    %get3A_520 = arith.constant 0 : index
    %get3A_521 = arith.constant 22359 : index
    %get3A_522 = vector.load %arg1[%get3A_520, %get3A_521] : memref<8x65536xf32, #tpu.memory_space<vmem>>, vector<8x169xf32>
    %swap3A_523 = arith.constant 0 : index
    %swap3A_524 = arith.constant 18531 : index
    %swap3A_525 = vector.load %arg2[%swap3A_523, %swap3A_524] : memref<8x32896xf32, #tpu.memory_space<vmem>>, vector<8x169xf32>
    tpu.vector_store %arg2[%swap3A_523, %swap3A_524], %get3A_522 {strides = array<i32>} : memref<8x32896xf32, #tpu.memory_space<vmem>>, vector<8x169xf32>,
    %get3A_526 = arith.constant 0 : index
    %get3A_527 = arith.constant 22616 : index
    %get3A_528 = vector.load %arg1[%get3A_526, %get3A_527] : memref<8x65536xf32, #tpu.memory_space<vmem>>, vector<8x168xf32>
    %swap3A_529 = arith.constant 0 : index
    %swap3A_530 = arith.constant 18700 : index
    %swap3A_531 = vector.load %arg2[%swap3A_529, %swap3A_530] : memref<8x32896xf32, #tpu.memory_space<vmem>>, vector<8x168xf32>
    tpu.vector_store %arg2[%swap3A_529, %swap3A_530], %get3A_528 {strides = array<i32>} : memref<8x32896xf32, #tpu.memory_space<vmem>>, vector<8x168xf32>,
    %get3A_532 = arith.constant 0 : index
    %get3A_533 = arith.constant 22873 : index
    %get3A_534 = vector.load %arg1[%get3A_532, %get3A_533] : memref<8x65536xf32, #tpu.memory_space<vmem>>, vector<8x167xf32>
    %swap3A_535 = arith.constant 0 : index
    %swap3A_536 = arith.constant 18868 : index
    %swap3A_537 = vector.load %arg2[%swap3A_535, %swap3A_536] : memref<8x32896xf32, #tpu.memory_space<vmem>>, vector<8x167xf32>
    tpu.vector_store %arg2[%swap3A_535, %swap3A_536], %get3A_534 {strides = array<i32>} : memref<8x32896xf32, #tpu.memory_space<vmem>>, vector<8x167xf32>,
    %get3A_538 = arith.constant 0 : index
    %get3A_539 = arith.constant 23130 : index
    %get3A_540 = vector.load %arg1[%get3A_538, %get3A_539] : memref<8x65536xf32, #tpu.memory_space<vmem>>, vector<8x166xf32>
    %swap3A_541 = arith.constant 0 : index
    %swap3A_542 = arith.constant 19035 : index
    %swap3A_543 = vector.load %arg2[%swap3A_541, %swap3A_542] : memref<8x32896xf32, #tpu.memory_space<vmem>>, vector<8x166xf32>
    tpu.vector_store %arg2[%swap3A_541, %swap3A_542], %get3A_540 {strides = array<i32>} : memref<8x32896xf32, #tpu.memory_space<vmem>>, vector<8x166xf32>,
    %get3A_544 = arith.constant 0 : index
    %get3A_545 = arith.constant 23387 : index
    %get3A_546 = vector.load %arg1[%get3A_544, %get3A_545] : memref<8x65536xf32, #tpu.memory_space<vmem>>, vector<8x165xf32>
    %swap3A_547 = arith.constant 0 : index
    %swap3A_548 = arith.constant 19201 : index
    %swap3A_549 = vector.load %arg2[%swap3A_547, %swap3A_548] : memref<8x32896xf32, #tpu.memory_space<vmem>>, vector<8x165xf32>
    tpu.vector_store %arg2[%swap3A_547, %swap3A_548], %get3A_546 {strides = array<i32>} : memref<8x32896xf32, #tpu.memory_space<vmem>>, vector<8x165xf32>,
    %get3A_550 = arith.constant 0 : index
    %get3A_551 = arith.constant 23644 : index
    %get3A_552 = vector.load %arg1[%get3A_550, %get3A_551] : memref<8x65536xf32, #tpu.memory_space<vmem>>, vector<8x164xf32>
    %swap3A_553 = arith.constant 0 : index
    %swap3A_554 = arith.constant 19366 : index
    %swap3A_555 = vector.load %arg2[%swap3A_553, %swap3A_554] : memref<8x32896xf32, #tpu.memory_space<vmem>>, vector<8x164xf32>
    tpu.vector_store %arg2[%swap3A_553, %swap3A_554], %get3A_552 {strides = array<i32>} : memref<8x32896xf32, #tpu.memory_space<vmem>>, vector<8x164xf32>,
    %get3A_556 = arith.constant 0 : index
    %get3A_557 = arith.constant 23901 : index
    %get3A_558 = vector.load %arg1[%get3A_556, %get3A_557] : memref<8x65536xf32, #tpu.memory_space<vmem>>, vector<8x163xf32>
    %swap3A_559 = arith.constant 0 : index
    %swap3A_560 = arith.constant 19530 : index
    %swap3A_561 = vector.load %arg2[%swap3A_559, %swap3A_560] : memref<8x32896xf32, #tpu.memory_space<vmem>>, vector<8x163xf32>
    tpu.vector_store %arg2[%swap3A_559, %swap3A_560], %get3A_558 {strides = array<i32>} : memref<8x32896xf32, #tpu.memory_space<vmem>>, vector<8x163xf32>,
    %get3A_562 = arith.constant 0 : index
    %get3A_563 = arith.constant 24158 : index
    %get3A_564 = vector.load %arg1[%get3A_562, %get3A_563] : memref<8x65536xf32, #tpu.memory_space<vmem>>, vector<8x162xf32>
    %swap3A_565 = arith.constant 0 : index
    %swap3A_566 = arith.constant 19693 : index
    %swap3A_567 = vector.load %arg2[%swap3A_565, %swap3A_566] : memref<8x32896xf32, #tpu.memory_space<vmem>>, vector<8x162xf32>
    tpu.vector_store %arg2[%swap3A_565, %swap3A_566], %get3A_564 {strides = array<i32>} : memref<8x32896xf32, #tpu.memory_space<vmem>>, vector<8x162xf32>,
    %get3A_568 = arith.constant 0 : index
    %get3A_569 = arith.constant 24415 : index
    %get3A_570 = vector.load %arg1[%get3A_568, %get3A_569] : memref<8x65536xf32, #tpu.memory_space<vmem>>, vector<8x161xf32>
    %swap3A_571 = arith.constant 0 : index
    %swap3A_572 = arith.constant 19855 : index
    %swap3A_573 = vector.load %arg2[%swap3A_571, %swap3A_572] : memref<8x32896xf32, #tpu.memory_space<vmem>>, vector<8x161xf32>
    tpu.vector_store %arg2[%swap3A_571, %swap3A_572], %get3A_570 {strides = array<i32>} : memref<8x32896xf32, #tpu.memory_space<vmem>>, vector<8x161xf32>,
    %get3A_574 = arith.constant 0 : index
    %get3A_575 = arith.constant 24672 : index
    %get3A_576 = vector.load %arg1[%get3A_574, %get3A_575] : memref<8x65536xf32, #tpu.memory_space<vmem>>, vector<8x160xf32>
    %swap3A_577 = arith.constant 0 : index
    %swap3A_578 = arith.constant 20016 : index
    %swap3A_579 = vector.load %arg2[%swap3A_577, %swap3A_578] : memref<8x32896xf32, #tpu.memory_space<vmem>>, vector<8x160xf32>
    tpu.vector_store %arg2[%swap3A_577, %swap3A_578], %get3A_576 {strides = array<i32>} : memref<8x32896xf32, #tpu.memory_space<vmem>>, vector<8x160xf32>,
    %get3A_580 = arith.constant 0 : index
    %get3A_581 = arith.constant 24929 : index
    %get3A_582 = vector.load %arg1[%get3A_580, %get3A_581] : memref<8x65536xf32, #tpu.memory_space<vmem>>, vector<8x159xf32>
    %swap3A_583 = arith.constant 0 : index
    %swap3A_584 = arith.constant 20176 : index
    %swap3A_585 = vector.load %arg2[%swap3A_583, %swap3A_584] : memref<8x32896xf32, #tpu.memory_space<vmem>>, vector<8x159xf32>
    tpu.vector_store %arg2[%swap3A_583, %swap3A_584], %get3A_582 {strides = array<i32>} : memref<8x32896xf32, #tpu.memory_space<vmem>>, vector<8x159xf32>,
    %get3A_586 = arith.constant 0 : index
    %get3A_587 = arith.constant 25186 : index
    %get3A_588 = vector.load %arg1[%get3A_586, %get3A_587] : memref<8x65536xf32, #tpu.memory_space<vmem>>, vector<8x158xf32>
    %swap3A_589 = arith.constant 0 : index
    %swap3A_590 = arith.constant 20335 : index
    %swap3A_591 = vector.load %arg2[%swap3A_589, %swap3A_590] : memref<8x32896xf32, #tpu.memory_space<vmem>>, vector<8x158xf32>
    tpu.vector_store %arg2[%swap3A_589, %swap3A_590], %get3A_588 {strides = array<i32>} : memref<8x32896xf32, #tpu.memory_space<vmem>>, vector<8x158xf32>,
    %get3A_592 = arith.constant 0 : index
    %get3A_593 = arith.constant 25443 : index
    %get3A_594 = vector.load %arg1[%get3A_592, %get3A_593] : memref<8x65536xf32, #tpu.memory_space<vmem>>, vector<8x157xf32>
    %swap3A_595 = arith.constant 0 : index
    %swap3A_596 = arith.constant 20493 : index
    %swap3A_597 = vector.load %arg2[%swap3A_595, %swap3A_596] : memref<8x32896xf32, #tpu.memory_space<vmem>>, vector<8x157xf32>
    tpu.vector_store %arg2[%swap3A_595, %swap3A_596], %get3A_594 {strides = array<i32>} : memref<8x32896xf32, #tpu.memory_space<vmem>>, vector<8x157xf32>,
    %get3A_598 = arith.constant 0 : index
    %get3A_599 = arith.constant 25700 : index
    %get3A_600 = vector.load %arg1[%get3A_598, %get3A_599] : memref<8x65536xf32, #tpu.memory_space<vmem>>, vector<8x156xf32>
    %swap3A_601 = arith.constant 0 : index
    %swap3A_602 = arith.constant 20650 : index
    %swap3A_603 = vector.load %arg2[%swap3A_601, %swap3A_602] : memref<8x32896xf32, #tpu.memory_space<vmem>>, vector<8x156xf32>
    tpu.vector_store %arg2[%swap3A_601, %swap3A_602], %get3A_600 {strides = array<i32>} : memref<8x32896xf32, #tpu.memory_space<vmem>>, vector<8x156xf32>,
    %get3A_604 = arith.constant 0 : index
    %get3A_605 = arith.constant 25957 : index
    %get3A_606 = vector.load %arg1[%get3A_604, %get3A_605] : memref<8x65536xf32, #tpu.memory_space<vmem>>, vector<8x155xf32>
    %swap3A_607 = arith.constant 0 : index
    %swap3A_608 = arith.constant 20806 : index
    %swap3A_609 = vector.load %arg2[%swap3A_607, %swap3A_608] : memref<8x32896xf32, #tpu.memory_space<vmem>>, vector<8x155xf32>
    tpu.vector_store %arg2[%swap3A_607, %swap3A_608], %get3A_606 {strides = array<i32>} : memref<8x32896xf32, #tpu.memory_space<vmem>>, vector<8x155xf32>,
    %get3A_610 = arith.constant 0 : index
    %get3A_611 = arith.constant 26214 : index
    %get3A_612 = vector.load %arg1[%get3A_610, %get3A_611] : memref<8x65536xf32, #tpu.memory_space<vmem>>, vector<8x154xf32>
    %swap3A_613 = arith.constant 0 : index
    %swap3A_614 = arith.constant 20961 : index
    %swap3A_615 = vector.load %arg2[%swap3A_613, %swap3A_614] : memref<8x32896xf32, #tpu.memory_space<vmem>>, vector<8x154xf32>
    tpu.vector_store %arg2[%swap3A_613, %swap3A_614], %get3A_612 {strides = array<i32>} : memref<8x32896xf32, #tpu.memory_space<vmem>>, vector<8x154xf32>,
    %get3A_616 = arith.constant 0 : index
    %get3A_617 = arith.constant 26471 : index
    %get3A_618 = vector.load %arg1[%get3A_616, %get3A_617] : memref<8x65536xf32, #tpu.memory_space<vmem>>, vector<8x153xf32>
    %swap3A_619 = arith.constant 0 : index
    %swap3A_620 = arith.constant 21115 : index
    %swap3A_621 = vector.load %arg2[%swap3A_619, %swap3A_620] : memref<8x32896xf32, #tpu.memory_space<vmem>>, vector<8x153xf32>
    tpu.vector_store %arg2[%swap3A_619, %swap3A_620], %get3A_618 {strides = array<i32>} : memref<8x32896xf32, #tpu.memory_space<vmem>>, vector<8x153xf32>,
    %get3A_622 = arith.constant 0 : index
    %get3A_623 = arith.constant 26728 : index
    %get3A_624 = vector.load %arg1[%get3A_622, %get3A_623] : memref<8x65536xf32, #tpu.memory_space<vmem>>, vector<8x152xf32>
    %swap3A_625 = arith.constant 0 : index
    %swap3A_626 = arith.constant 21268 : index
    %swap3A_627 = vector.load %arg2[%swap3A_625, %swap3A_626] : memref<8x32896xf32, #tpu.memory_space<vmem>>, vector<8x152xf32>
    tpu.vector_store %arg2[%swap3A_625, %swap3A_626], %get3A_624 {strides = array<i32>} : memref<8x32896xf32, #tpu.memory_space<vmem>>, vector<8x152xf32>,
    %get3A_628 = arith.constant 0 : index
    %get3A_629 = arith.constant 26985 : index
    %get3A_630 = vector.load %arg1[%get3A_628, %get3A_629] : memref<8x65536xf32, #tpu.memory_space<vmem>>, vector<8x151xf32>
    %swap3A_631 = arith.constant 0 : index
    %swap3A_632 = arith.constant 21420 : index
    %swap3A_633 = vector.load %arg2[%swap3A_631, %swap3A_632] : memref<8x32896xf32, #tpu.memory_space<vmem>>, vector<8x151xf32>
    tpu.vector_store %arg2[%swap3A_631, %swap3A_632], %get3A_630 {strides = array<i32>} : memref<8x32896xf32, #tpu.memory_space<vmem>>, vector<8x151xf32>,
    %get3A_634 = arith.constant 0 : index
    %get3A_635 = arith.constant 27242 : index
    %get3A_636 = vector.load %arg1[%get3A_634, %get3A_635] : memref<8x65536xf32, #tpu.memory_space<vmem>>, vector<8x150xf32>
    %swap3A_637 = arith.constant 0 : index
    %swap3A_638 = arith.constant 21571 : index
    %swap3A_639 = vector.load %arg2[%swap3A_637, %swap3A_638] : memref<8x32896xf32, #tpu.memory_space<vmem>>, vector<8x150xf32>
    tpu.vector_store %arg2[%swap3A_637, %swap3A_638], %get3A_636 {strides = array<i32>} : memref<8x32896xf32, #tpu.memory_space<vmem>>, vector<8x150xf32>,
    %get3A_640 = arith.constant 0 : index
    %get3A_641 = arith.constant 27499 : index
    %get3A_642 = vector.load %arg1[%get3A_640, %get3A_641] : memref<8x65536xf32, #tpu.memory_space<vmem>>, vector<8x149xf32>
    %swap3A_643 = arith.constant 0 : index
    %swap3A_644 = arith.constant 21721 : index
    %swap3A_645 = vector.load %arg2[%swap3A_643, %swap3A_644] : memref<8x32896xf32, #tpu.memory_space<vmem>>, vector<8x149xf32>
    tpu.vector_store %arg2[%swap3A_643, %swap3A_644], %get3A_642 {strides = array<i32>} : memref<8x32896xf32, #tpu.memory_space<vmem>>, vector<8x149xf32>,
    %get3A_646 = arith.constant 0 : index
    %get3A_647 = arith.constant 27756 : index
    %get3A_648 = vector.load %arg1[%get3A_646, %get3A_647] : memref<8x65536xf32, #tpu.memory_space<vmem>>, vector<8x148xf32>
    %swap3A_649 = arith.constant 0 : index
    %swap3A_650 = arith.constant 21870 : index
    %swap3A_651 = vector.load %arg2[%swap3A_649, %swap3A_650] : memref<8x32896xf32, #tpu.memory_space<vmem>>, vector<8x148xf32>
    tpu.vector_store %arg2[%swap3A_649, %swap3A_650], %get3A_648 {strides = array<i32>} : memref<8x32896xf32, #tpu.memory_space<vmem>>, vector<8x148xf32>,
    %get3A_652 = arith.constant 0 : index
    %get3A_653 = arith.constant 28013 : index
    %get3A_654 = vector.load %arg1[%get3A_652, %get3A_653] : memref<8x65536xf32, #tpu.memory_space<vmem>>, vector<8x147xf32>
    %swap3A_655 = arith.constant 0 : index
    %swap3A_656 = arith.constant 22018 : index
    %swap3A_657 = vector.load %arg2[%swap3A_655, %swap3A_656] : memref<8x32896xf32, #tpu.memory_space<vmem>>, vector<8x147xf32>
    tpu.vector_store %arg2[%swap3A_655, %swap3A_656], %get3A_654 {strides = array<i32>} : memref<8x32896xf32, #tpu.memory_space<vmem>>, vector<8x147xf32>,
    %get3A_658 = arith.constant 0 : index
    %get3A_659 = arith.constant 28270 : index
    %get3A_660 = vector.load %arg1[%get3A_658, %get3A_659] : memref<8x65536xf32, #tpu.memory_space<vmem>>, vector<8x146xf32>
    %swap3A_661 = arith.constant 0 : index
    %swap3A_662 = arith.constant 22165 : index
    %swap3A_663 = vector.load %arg2[%swap3A_661, %swap3A_662] : memref<8x32896xf32, #tpu.memory_space<vmem>>, vector<8x146xf32>
    tpu.vector_store %arg2[%swap3A_661, %swap3A_662], %get3A_660 {strides = array<i32>} : memref<8x32896xf32, #tpu.memory_space<vmem>>, vector<8x146xf32>,
    %get3A_664 = arith.constant 0 : index
    %get3A_665 = arith.constant 28527 : index
    %get3A_666 = vector.load %arg1[%get3A_664, %get3A_665] : memref<8x65536xf32, #tpu.memory_space<vmem>>, vector<8x145xf32>
    %swap3A_667 = arith.constant 0 : index
    %swap3A_668 = arith.constant 22311 : index
    %swap3A_669 = vector.load %arg2[%swap3A_667, %swap3A_668] : memref<8x32896xf32, #tpu.memory_space<vmem>>, vector<8x145xf32>
    tpu.vector_store %arg2[%swap3A_667, %swap3A_668], %get3A_666 {strides = array<i32>} : memref<8x32896xf32, #tpu.memory_space<vmem>>, vector<8x145xf32>,
    %get3A_670 = arith.constant 0 : index
    %get3A_671 = arith.constant 28784 : index
    %get3A_672 = vector.load %arg1[%get3A_670, %get3A_671] : memref<8x65536xf32, #tpu.memory_space<vmem>>, vector<8x144xf32>
    %swap3A_673 = arith.constant 0 : index
    %swap3A_674 = arith.constant 22456 : index
    %swap3A_675 = vector.load %arg2[%swap3A_673, %swap3A_674] : memref<8x32896xf32, #tpu.memory_space<vmem>>, vector<8x144xf32>
    tpu.vector_store %arg2[%swap3A_673, %swap3A_674], %get3A_672 {strides = array<i32>} : memref<8x32896xf32, #tpu.memory_space<vmem>>, vector<8x144xf32>,
    %get3A_676 = arith.constant 0 : index
    %get3A_677 = arith.constant 29041 : index
    %get3A_678 = vector.load %arg1[%get3A_676, %get3A_677] : memref<8x65536xf32, #tpu.memory_space<vmem>>, vector<8x143xf32>
    %swap3A_679 = arith.constant 0 : index
    %swap3A_680 = arith.constant 22600 : index
    %swap3A_681 = vector.load %arg2[%swap3A_679, %swap3A_680] : memref<8x32896xf32, #tpu.memory_space<vmem>>, vector<8x143xf32>
    tpu.vector_store %arg2[%swap3A_679, %swap3A_680], %get3A_678 {strides = array<i32>} : memref<8x32896xf32, #tpu.memory_space<vmem>>, vector<8x143xf32>,
    %get3A_682 = arith.constant 0 : index
    %get3A_683 = arith.constant 29298 : index
    %get3A_684 = vector.load %arg1[%get3A_682, %get3A_683] : memref<8x65536xf32, #tpu.memory_space<vmem>>, vector<8x142xf32>
    %swap3A_685 = arith.constant 0 : index
    %swap3A_686 = arith.constant 22743 : index
    %swap3A_687 = vector.load %arg2[%swap3A_685, %swap3A_686] : memref<8x32896xf32, #tpu.memory_space<vmem>>, vector<8x142xf32>
    tpu.vector_store %arg2[%swap3A_685, %swap3A_686], %get3A_684 {strides = array<i32>} : memref<8x32896xf32, #tpu.memory_space<vmem>>, vector<8x142xf32>,
    %get3A_688 = arith.constant 0 : index
    %get3A_689 = arith.constant 29555 : index
    %get3A_690 = vector.load %arg1[%get3A_688, %get3A_689] : memref<8x65536xf32, #tpu.memory_space<vmem>>, vector<8x141xf32>
    %swap3A_691 = arith.constant 0 : index
    %swap3A_692 = arith.constant 22885 : index
    %swap3A_693 = vector.load %arg2[%swap3A_691, %swap3A_692] : memref<8x32896xf32, #tpu.memory_space<vmem>>, vector<8x141xf32>
    tpu.vector_store %arg2[%swap3A_691, %swap3A_692], %get3A_690 {strides = array<i32>} : memref<8x32896xf32, #tpu.memory_space<vmem>>, vector<8x141xf32>,
    %get3A_694 = arith.constant 0 : index
    %get3A_695 = arith.constant 29812 : index
    %get3A_696 = vector.load %arg1[%get3A_694, %get3A_695] : memref<8x65536xf32, #tpu.memory_space<vmem>>, vector<8x140xf32>
    %swap3A_697 = arith.constant 0 : index
    %swap3A_698 = arith.constant 23026 : index
    %swap3A_699 = vector.load %arg2[%swap3A_697, %swap3A_698] : memref<8x32896xf32, #tpu.memory_space<vmem>>, vector<8x140xf32>
    tpu.vector_store %arg2[%swap3A_697, %swap3A_698], %get3A_696 {strides = array<i32>} : memref<8x32896xf32, #tpu.memory_space<vmem>>, vector<8x140xf32>,
    %get3A_700 = arith.constant 0 : index
    %get3A_701 = arith.constant 30069 : index
    %get3A_702 = vector.load %arg1[%get3A_700, %get3A_701] : memref<8x65536xf32, #tpu.memory_space<vmem>>, vector<8x139xf32>
    %swap3A_703 = arith.constant 0 : index
    %swap3A_704 = arith.constant 23166 : index
    %swap3A_705 = vector.load %arg2[%swap3A_703, %swap3A_704] : memref<8x32896xf32, #tpu.memory_space<vmem>>, vector<8x139xf32>
    tpu.vector_store %arg2[%swap3A_703, %swap3A_704], %get3A_702 {strides = array<i32>} : memref<8x32896xf32, #tpu.memory_space<vmem>>, vector<8x139xf32>,
    %get3A_706 = arith.constant 0 : index
    %get3A_707 = arith.constant 30326 : index
    %get3A_708 = vector.load %arg1[%get3A_706, %get3A_707] : memref<8x65536xf32, #tpu.memory_space<vmem>>, vector<8x138xf32>
    %swap3A_709 = arith.constant 0 : index
    %swap3A_710 = arith.constant 23305 : index
    %swap3A_711 = vector.load %arg2[%swap3A_709, %swap3A_710] : memref<8x32896xf32, #tpu.memory_space<vmem>>, vector<8x138xf32>
    tpu.vector_store %arg2[%swap3A_709, %swap3A_710], %get3A_708 {strides = array<i32>} : memref<8x32896xf32, #tpu.memory_space<vmem>>, vector<8x138xf32>,
    %get3A_712 = arith.constant 0 : index
    %get3A_713 = arith.constant 30583 : index
    %get3A_714 = vector.load %arg1[%get3A_712, %get3A_713] : memref<8x65536xf32, #tpu.memory_space<vmem>>, vector<8x137xf32>
    %swap3A_715 = arith.constant 0 : index
    %swap3A_716 = arith.constant 23443 : index
    %swap3A_717 = vector.load %arg2[%swap3A_715, %swap3A_716] : memref<8x32896xf32, #tpu.memory_space<vmem>>, vector<8x137xf32>
    tpu.vector_store %arg2[%swap3A_715, %swap3A_716], %get3A_714 {strides = array<i32>} : memref<8x32896xf32, #tpu.memory_space<vmem>>, vector<8x137xf32>,
    %get3A_718 = arith.constant 0 : index
    %get3A_719 = arith.constant 30840 : index
    %get3A_720 = vector.load %arg1[%get3A_718, %get3A_719] : memref<8x65536xf32, #tpu.memory_space<vmem>>, vector<8x136xf32>
    %swap3A_721 = arith.constant 0 : index
    %swap3A_722 = arith.constant 23580 : index
    %swap3A_723 = vector.load %arg2[%swap3A_721, %swap3A_722] : memref<8x32896xf32, #tpu.memory_space<vmem>>, vector<8x136xf32>
    tpu.vector_store %arg2[%swap3A_721, %swap3A_722], %get3A_720 {strides = array<i32>} : memref<8x32896xf32, #tpu.memory_space<vmem>>, vector<8x136xf32>,
    %get3A_724 = arith.constant 0 : index
    %get3A_725 = arith.constant 31097 : index
    %get3A_726 = vector.load %arg1[%get3A_724, %get3A_725] : memref<8x65536xf32, #tpu.memory_space<vmem>>, vector<8x135xf32>
    %swap3A_727 = arith.constant 0 : index
    %swap3A_728 = arith.constant 23716 : index
    %swap3A_729 = vector.load %arg2[%swap3A_727, %swap3A_728] : memref<8x32896xf32, #tpu.memory_space<vmem>>, vector<8x135xf32>
    tpu.vector_store %arg2[%swap3A_727, %swap3A_728], %get3A_726 {strides = array<i32>} : memref<8x32896xf32, #tpu.memory_space<vmem>>, vector<8x135xf32>,
    %get3A_730 = arith.constant 0 : index
    %get3A_731 = arith.constant 31354 : index
    %get3A_732 = vector.load %arg1[%get3A_730, %get3A_731] : memref<8x65536xf32, #tpu.memory_space<vmem>>, vector<8x134xf32>
    %swap3A_733 = arith.constant 0 : index
    %swap3A_734 = arith.constant 23851 : index
    %swap3A_735 = vector.load %arg2[%swap3A_733, %swap3A_734] : memref<8x32896xf32, #tpu.memory_space<vmem>>, vector<8x134xf32>
    tpu.vector_store %arg2[%swap3A_733, %swap3A_734], %get3A_732 {strides = array<i32>} : memref<8x32896xf32, #tpu.memory_space<vmem>>, vector<8x134xf32>,
    %get3A_736 = arith.constant 0 : index
    %get3A_737 = arith.constant 31611 : index
    %get3A_738 = vector.load %arg1[%get3A_736, %get3A_737] : memref<8x65536xf32, #tpu.memory_space<vmem>>, vector<8x133xf32>
    %swap3A_739 = arith.constant 0 : index
    %swap3A_740 = arith.constant 23985 : index
    %swap3A_741 = vector.load %arg2[%swap3A_739, %swap3A_740] : memref<8x32896xf32, #tpu.memory_space<vmem>>, vector<8x133xf32>
    tpu.vector_store %arg2[%swap3A_739, %swap3A_740], %get3A_738 {strides = array<i32>} : memref<8x32896xf32, #tpu.memory_space<vmem>>, vector<8x133xf32>,
    %get3A_742 = arith.constant 0 : index
    %get3A_743 = arith.constant 31868 : index
    %get3A_744 = vector.load %arg1[%get3A_742, %get3A_743] : memref<8x65536xf32, #tpu.memory_space<vmem>>, vector<8x132xf32>
    %swap3A_745 = arith.constant 0 : index
    %swap3A_746 = arith.constant 24118 : index
    %swap3A_747 = vector.load %arg2[%swap3A_745, %swap3A_746] : memref<8x32896xf32, #tpu.memory_space<vmem>>, vector<8x132xf32>
    tpu.vector_store %arg2[%swap3A_745, %swap3A_746], %get3A_744 {strides = array<i32>} : memref<8x32896xf32, #tpu.memory_space<vmem>>, vector<8x132xf32>,
    %get3A_748 = arith.constant 0 : index
    %get3A_749 = arith.constant 32125 : index
    %get3A_750 = vector.load %arg1[%get3A_748, %get3A_749] : memref<8x65536xf32, #tpu.memory_space<vmem>>, vector<8x131xf32>
    %swap3A_751 = arith.constant 0 : index
    %swap3A_752 = arith.constant 24250 : index
    %swap3A_753 = vector.load %arg2[%swap3A_751, %swap3A_752] : memref<8x32896xf32, #tpu.memory_space<vmem>>, vector<8x131xf32>
    tpu.vector_store %arg2[%swap3A_751, %swap3A_752], %get3A_750 {strides = array<i32>} : memref<8x32896xf32, #tpu.memory_space<vmem>>, vector<8x131xf32>,
    %get3A_754 = arith.constant 0 : index
    %get3A_755 = arith.constant 32382 : index
    %get3A_756 = vector.load %arg1[%get3A_754, %get3A_755] : memref<8x65536xf32, #tpu.memory_space<vmem>>, vector<8x130xf32>
    %swap3A_757 = arith.constant 0 : index
    %swap3A_758 = arith.constant 24381 : index
    %swap3A_759 = vector.load %arg2[%swap3A_757, %swap3A_758] : memref<8x32896xf32, #tpu.memory_space<vmem>>, vector<8x130xf32>
    tpu.vector_store %arg2[%swap3A_757, %swap3A_758], %get3A_756 {strides = array<i32>} : memref<8x32896xf32, #tpu.memory_space<vmem>>, vector<8x130xf32>,
    %get3A_760 = arith.constant 0 : index
    %get3A_761 = arith.constant 32639 : index
    %get3A_762 = vector.load %arg1[%get3A_760, %get3A_761] : memref<8x65536xf32, #tpu.memory_space<vmem>>, vector<8x129xf32>
    %swap3A_763 = arith.constant 0 : index
    %swap3A_764 = arith.constant 24511 : index
    %swap3A_765 = vector.load %arg2[%swap3A_763, %swap3A_764] : memref<8x32896xf32, #tpu.memory_space<vmem>>, vector<8x129xf32>
    tpu.vector_store %arg2[%swap3A_763, %swap3A_764], %get3A_762 {strides = array<i32>} : memref<8x32896xf32, #tpu.memory_space<vmem>>, vector<8x129xf32>,
    %get3A_766 = arith.constant 0 : index
    %get3A_767 = arith.constant 32896 : index
    %get3A_768 = vector.load %arg1[%get3A_766, %get3A_767] : memref<8x65536xf32, #tpu.memory_space<vmem>>, vector<8x128xf32>
    %swap3A_769 = arith.constant 0 : index
    %swap3A_770 = arith.constant 24640 : index
    %swap3A_771 = vector.load %arg2[%swap3A_769, %swap3A_770] : memref<8x32896xf32, #tpu.memory_space<vmem>>, vector<8x128xf32>
    tpu.vector_store %arg2[%swap3A_769, %swap3A_770], %get3A_768 {strides = array<i32>} : memref<8x32896xf32, #tpu.memory_space<vmem>>, vector<8x128xf32>,
    %get3A_772 = arith.constant 0 : index
    %get3A_773 = arith.constant 33153 : index
    %get3A_774 = vector.load %arg1[%get3A_772, %get3A_773] : memref<8x65536xf32, #tpu.memory_space<vmem>>, vector<8x127xf32>
    %swap3A_775 = arith.constant 0 : index
    %swap3A_776 = arith.constant 24768 : index
    %swap3A_777 = vector.load %arg2[%swap3A_775, %swap3A_776] : memref<8x32896xf32, #tpu.memory_space<vmem>>, vector<8x127xf32>
    tpu.vector_store %arg2[%swap3A_775, %swap3A_776], %get3A_774 {strides = array<i32>} : memref<8x32896xf32, #tpu.memory_space<vmem>>, vector<8x127xf32>,
    %get3A_778 = arith.constant 0 : index
    %get3A_779 = arith.constant 33410 : index
    %get3A_780 = vector.load %arg1[%get3A_778, %get3A_779] : memref<8x65536xf32, #tpu.memory_space<vmem>>, vector<8x126xf32>
    %swap3A_781 = arith.constant 0 : index
    %swap3A_782 = arith.constant 24895 : index
    %swap3A_783 = vector.load %arg2[%swap3A_781, %swap3A_782] : memref<8x32896xf32, #tpu.memory_space<vmem>>, vector<8x126xf32>
    tpu.vector_store %arg2[%swap3A_781, %swap3A_782], %get3A_780 {strides = array<i32>} : memref<8x32896xf32, #tpu.memory_space<vmem>>, vector<8x126xf32>,
    %get3A_784 = arith.constant 0 : index
    %get3A_785 = arith.constant 33667 : index
    %get3A_786 = vector.load %arg1[%get3A_784, %get3A_785] : memref<8x65536xf32, #tpu.memory_space<vmem>>, vector<8x125xf32>
    %swap3A_787 = arith.constant 0 : index
    %swap3A_788 = arith.constant 25021 : index
    %swap3A_789 = vector.load %arg2[%swap3A_787, %swap3A_788] : memref<8x32896xf32, #tpu.memory_space<vmem>>, vector<8x125xf32>
    tpu.vector_store %arg2[%swap3A_787, %swap3A_788], %get3A_786 {strides = array<i32>} : memref<8x32896xf32, #tpu.memory_space<vmem>>, vector<8x125xf32>,
    %get3A_790 = arith.constant 0 : index
    %get3A_791 = arith.constant 33924 : index
    %get3A_792 = vector.load %arg1[%get3A_790, %get3A_791] : memref<8x65536xf32, #tpu.memory_space<vmem>>, vector<8x124xf32>
    %swap3A_793 = arith.constant 0 : index
    %swap3A_794 = arith.constant 25146 : index
    %swap3A_795 = vector.load %arg2[%swap3A_793, %swap3A_794] : memref<8x32896xf32, #tpu.memory_space<vmem>>, vector<8x124xf32>
    tpu.vector_store %arg2[%swap3A_793, %swap3A_794], %get3A_792 {strides = array<i32>} : memref<8x32896xf32, #tpu.memory_space<vmem>>, vector<8x124xf32>,
    %get3A_796 = arith.constant 0 : index
    %get3A_797 = arith.constant 34181 : index
    %get3A_798 = vector.load %arg1[%get3A_796, %get3A_797] : memref<8x65536xf32, #tpu.memory_space<vmem>>, vector<8x123xf32>
    %swap3A_799 = arith.constant 0 : index
    %swap3A_800 = arith.constant 25270 : index
    %swap3A_801 = vector.load %arg2[%swap3A_799, %swap3A_800] : memref<8x32896xf32, #tpu.memory_space<vmem>>, vector<8x123xf32>
    tpu.vector_store %arg2[%swap3A_799, %swap3A_800], %get3A_798 {strides = array<i32>} : memref<8x32896xf32, #tpu.memory_space<vmem>>, vector<8x123xf32>,
    %get3A_802 = arith.constant 0 : index
    %get3A_803 = arith.constant 34438 : index
    %get3A_804 = vector.load %arg1[%get3A_802, %get3A_803] : memref<8x65536xf32, #tpu.memory_space<vmem>>, vector<8x122xf32>
    %swap3A_805 = arith.constant 0 : index
    %swap3A_806 = arith.constant 25393 : index
    %swap3A_807 = vector.load %arg2[%swap3A_805, %swap3A_806] : memref<8x32896xf32, #tpu.memory_space<vmem>>, vector<8x122xf32>
    tpu.vector_store %arg2[%swap3A_805, %swap3A_806], %get3A_804 {strides = array<i32>} : memref<8x32896xf32, #tpu.memory_space<vmem>>, vector<8x122xf32>,
    %get3A_808 = arith.constant 0 : index
    %get3A_809 = arith.constant 34695 : index
    %get3A_810 = vector.load %arg1[%get3A_808, %get3A_809] : memref<8x65536xf32, #tpu.memory_space<vmem>>, vector<8x121xf32>
    %swap3A_811 = arith.constant 0 : index
    %swap3A_812 = arith.constant 25515 : index
    %swap3A_813 = vector.load %arg2[%swap3A_811, %swap3A_812] : memref<8x32896xf32, #tpu.memory_space<vmem>>, vector<8x121xf32>
    tpu.vector_store %arg2[%swap3A_811, %swap3A_812], %get3A_810 {strides = array<i32>} : memref<8x32896xf32, #tpu.memory_space<vmem>>, vector<8x121xf32>,
    %get3A_814 = arith.constant 0 : index
    %get3A_815 = arith.constant 34952 : index
    %get3A_816 = vector.load %arg1[%get3A_814, %get3A_815] : memref<8x65536xf32, #tpu.memory_space<vmem>>, vector<8x120xf32>
    %swap3A_817 = arith.constant 0 : index
    %swap3A_818 = arith.constant 25636 : index
    %swap3A_819 = vector.load %arg2[%swap3A_817, %swap3A_818] : memref<8x32896xf32, #tpu.memory_space<vmem>>, vector<8x120xf32>
    tpu.vector_store %arg2[%swap3A_817, %swap3A_818], %get3A_816 {strides = array<i32>} : memref<8x32896xf32, #tpu.memory_space<vmem>>, vector<8x120xf32>,
    %get3A_820 = arith.constant 0 : index
    %get3A_821 = arith.constant 35209 : index
    %get3A_822 = vector.load %arg1[%get3A_820, %get3A_821] : memref<8x65536xf32, #tpu.memory_space<vmem>>, vector<8x119xf32>
    %swap3A_823 = arith.constant 0 : index
    %swap3A_824 = arith.constant 25756 : index
    %swap3A_825 = vector.load %arg2[%swap3A_823, %swap3A_824] : memref<8x32896xf32, #tpu.memory_space<vmem>>, vector<8x119xf32>
    tpu.vector_store %arg2[%swap3A_823, %swap3A_824], %get3A_822 {strides = array<i32>} : memref<8x32896xf32, #tpu.memory_space<vmem>>, vector<8x119xf32>,
    %get3A_826 = arith.constant 0 : index
    %get3A_827 = arith.constant 35466 : index
    %get3A_828 = vector.load %arg1[%get3A_826, %get3A_827] : memref<8x65536xf32, #tpu.memory_space<vmem>>, vector<8x118xf32>
    %swap3A_829 = arith.constant 0 : index
    %swap3A_830 = arith.constant 25875 : index
    %swap3A_831 = vector.load %arg2[%swap3A_829, %swap3A_830] : memref<8x32896xf32, #tpu.memory_space<vmem>>, vector<8x118xf32>
    tpu.vector_store %arg2[%swap3A_829, %swap3A_830], %get3A_828 {strides = array<i32>} : memref<8x32896xf32, #tpu.memory_space<vmem>>, vector<8x118xf32>,
    %get3A_832 = arith.constant 0 : index
    %get3A_833 = arith.constant 35723 : index
    %get3A_834 = vector.load %arg1[%get3A_832, %get3A_833] : memref<8x65536xf32, #tpu.memory_space<vmem>>, vector<8x117xf32>
    %swap3A_835 = arith.constant 0 : index
    %swap3A_836 = arith.constant 25993 : index
    %swap3A_837 = vector.load %arg2[%swap3A_835, %swap3A_836] : memref<8x32896xf32, #tpu.memory_space<vmem>>, vector<8x117xf32>
    tpu.vector_store %arg2[%swap3A_835, %swap3A_836], %get3A_834 {strides = array<i32>} : memref<8x32896xf32, #tpu.memory_space<vmem>>, vector<8x117xf32>,
    %get3A_838 = arith.constant 0 : index
    %get3A_839 = arith.constant 35980 : index
    %get3A_840 = vector.load %arg1[%get3A_838, %get3A_839] : memref<8x65536xf32, #tpu.memory_space<vmem>>, vector<8x116xf32>
    %swap3A_841 = arith.constant 0 : index
    %swap3A_842 = arith.constant 26110 : index
    %swap3A_843 = vector.load %arg2[%swap3A_841, %swap3A_842] : memref<8x32896xf32, #tpu.memory_space<vmem>>, vector<8x116xf32>
    tpu.vector_store %arg2[%swap3A_841, %swap3A_842], %get3A_840 {strides = array<i32>} : memref<8x32896xf32, #tpu.memory_space<vmem>>, vector<8x116xf32>,
    %get3A_844 = arith.constant 0 : index
    %get3A_845 = arith.constant 36237 : index
    %get3A_846 = vector.load %arg1[%get3A_844, %get3A_845] : memref<8x65536xf32, #tpu.memory_space<vmem>>, vector<8x115xf32>
    %swap3A_847 = arith.constant 0 : index
    %swap3A_848 = arith.constant 26226 : index
    %swap3A_849 = vector.load %arg2[%swap3A_847, %swap3A_848] : memref<8x32896xf32, #tpu.memory_space<vmem>>, vector<8x115xf32>
    tpu.vector_store %arg2[%swap3A_847, %swap3A_848], %get3A_846 {strides = array<i32>} : memref<8x32896xf32, #tpu.memory_space<vmem>>, vector<8x115xf32>,
    %get3A_850 = arith.constant 0 : index
    %get3A_851 = arith.constant 36494 : index
    %get3A_852 = vector.load %arg1[%get3A_850, %get3A_851] : memref<8x65536xf32, #tpu.memory_space<vmem>>, vector<8x114xf32>
    %swap3A_853 = arith.constant 0 : index
    %swap3A_854 = arith.constant 26341 : index
    %swap3A_855 = vector.load %arg2[%swap3A_853, %swap3A_854] : memref<8x32896xf32, #tpu.memory_space<vmem>>, vector<8x114xf32>
    tpu.vector_store %arg2[%swap3A_853, %swap3A_854], %get3A_852 {strides = array<i32>} : memref<8x32896xf32, #tpu.memory_space<vmem>>, vector<8x114xf32>,
    %get3A_856 = arith.constant 0 : index
    %get3A_857 = arith.constant 36751 : index
    %get3A_858 = vector.load %arg1[%get3A_856, %get3A_857] : memref<8x65536xf32, #tpu.memory_space<vmem>>, vector<8x113xf32>
    %swap3A_859 = arith.constant 0 : index
    %swap3A_860 = arith.constant 26455 : index
    %swap3A_861 = vector.load %arg2[%swap3A_859, %swap3A_860] : memref<8x32896xf32, #tpu.memory_space<vmem>>, vector<8x113xf32>
    tpu.vector_store %arg2[%swap3A_859, %swap3A_860], %get3A_858 {strides = array<i32>} : memref<8x32896xf32, #tpu.memory_space<vmem>>, vector<8x113xf32>,
    %get3A_862 = arith.constant 0 : index
    %get3A_863 = arith.constant 37008 : index
    %get3A_864 = vector.load %arg1[%get3A_862, %get3A_863] : memref<8x65536xf32, #tpu.memory_space<vmem>>, vector<8x112xf32>
    %swap3A_865 = arith.constant 0 : index
    %swap3A_866 = arith.constant 26568 : index
    %swap3A_867 = vector.load %arg2[%swap3A_865, %swap3A_866] : memref<8x32896xf32, #tpu.memory_space<vmem>>, vector<8x112xf32>
    tpu.vector_store %arg2[%swap3A_865, %swap3A_866], %get3A_864 {strides = array<i32>} : memref<8x32896xf32, #tpu.memory_space<vmem>>, vector<8x112xf32>,
    %get3A_868 = arith.constant 0 : index
    %get3A_869 = arith.constant 37265 : index
    %get3A_870 = vector.load %arg1[%get3A_868, %get3A_869] : memref<8x65536xf32, #tpu.memory_space<vmem>>, vector<8x111xf32>
    %swap3A_871 = arith.constant 0 : index
    %swap3A_872 = arith.constant 26680 : index
    %swap3A_873 = vector.load %arg2[%swap3A_871, %swap3A_872] : memref<8x32896xf32, #tpu.memory_space<vmem>>, vector<8x111xf32>
    tpu.vector_store %arg2[%swap3A_871, %swap3A_872], %get3A_870 {strides = array<i32>} : memref<8x32896xf32, #tpu.memory_space<vmem>>, vector<8x111xf32>,
    %get3A_874 = arith.constant 0 : index
    %get3A_875 = arith.constant 37522 : index
    %get3A_876 = vector.load %arg1[%get3A_874, %get3A_875] : memref<8x65536xf32, #tpu.memory_space<vmem>>, vector<8x110xf32>
    %swap3A_877 = arith.constant 0 : index
    %swap3A_878 = arith.constant 26791 : index
    %swap3A_879 = vector.load %arg2[%swap3A_877, %swap3A_878] : memref<8x32896xf32, #tpu.memory_space<vmem>>, vector<8x110xf32>
    tpu.vector_store %arg2[%swap3A_877, %swap3A_878], %get3A_876 {strides = array<i32>} : memref<8x32896xf32, #tpu.memory_space<vmem>>, vector<8x110xf32>,
    %get3A_880 = arith.constant 0 : index
    %get3A_881 = arith.constant 37779 : index
    %get3A_882 = vector.load %arg1[%get3A_880, %get3A_881] : memref<8x65536xf32, #tpu.memory_space<vmem>>, vector<8x109xf32>
    %swap3A_883 = arith.constant 0 : index
    %swap3A_884 = arith.constant 26901 : index
    %swap3A_885 = vector.load %arg2[%swap3A_883, %swap3A_884] : memref<8x32896xf32, #tpu.memory_space<vmem>>, vector<8x109xf32>
    tpu.vector_store %arg2[%swap3A_883, %swap3A_884], %get3A_882 {strides = array<i32>} : memref<8x32896xf32, #tpu.memory_space<vmem>>, vector<8x109xf32>,
    %get3A_886 = arith.constant 0 : index
    %get3A_887 = arith.constant 38036 : index
    %get3A_888 = vector.load %arg1[%get3A_886, %get3A_887] : memref<8x65536xf32, #tpu.memory_space<vmem>>, vector<8x108xf32>
    %swap3A_889 = arith.constant 0 : index
    %swap3A_890 = arith.constant 27010 : index
    %swap3A_891 = vector.load %arg2[%swap3A_889, %swap3A_890] : memref<8x32896xf32, #tpu.memory_space<vmem>>, vector<8x108xf32>
    tpu.vector_store %arg2[%swap3A_889, %swap3A_890], %get3A_888 {strides = array<i32>} : memref<8x32896xf32, #tpu.memory_space<vmem>>, vector<8x108xf32>,
    %get3A_892 = arith.constant 0 : index
    %get3A_893 = arith.constant 38293 : index
    %get3A_894 = vector.load %arg1[%get3A_892, %get3A_893] : memref<8x65536xf32, #tpu.memory_space<vmem>>, vector<8x107xf32>
    %swap3A_895 = arith.constant 0 : index
    %swap3A_896 = arith.constant 27118 : index
    %swap3A_897 = vector.load %arg2[%swap3A_895, %swap3A_896] : memref<8x32896xf32, #tpu.memory_space<vmem>>, vector<8x107xf32>
    tpu.vector_store %arg2[%swap3A_895, %swap3A_896], %get3A_894 {strides = array<i32>} : memref<8x32896xf32, #tpu.memory_space<vmem>>, vector<8x107xf32>,
    %get3A_898 = arith.constant 0 : index
    %get3A_899 = arith.constant 38550 : index
    %get3A_900 = vector.load %arg1[%get3A_898, %get3A_899] : memref<8x65536xf32, #tpu.memory_space<vmem>>, vector<8x106xf32>
    %swap3A_901 = arith.constant 0 : index
    %swap3A_902 = arith.constant 27225 : index
    %swap3A_903 = vector.load %arg2[%swap3A_901, %swap3A_902] : memref<8x32896xf32, #tpu.memory_space<vmem>>, vector<8x106xf32>
    tpu.vector_store %arg2[%swap3A_901, %swap3A_902], %get3A_900 {strides = array<i32>} : memref<8x32896xf32, #tpu.memory_space<vmem>>, vector<8x106xf32>,
    %get3A_904 = arith.constant 0 : index
    %get3A_905 = arith.constant 38807 : index
    %get3A_906 = vector.load %arg1[%get3A_904, %get3A_905] : memref<8x65536xf32, #tpu.memory_space<vmem>>, vector<8x105xf32>
    %swap3A_907 = arith.constant 0 : index
    %swap3A_908 = arith.constant 27331 : index
    %swap3A_909 = vector.load %arg2[%swap3A_907, %swap3A_908] : memref<8x32896xf32, #tpu.memory_space<vmem>>, vector<8x105xf32>
    tpu.vector_store %arg2[%swap3A_907, %swap3A_908], %get3A_906 {strides = array<i32>} : memref<8x32896xf32, #tpu.memory_space<vmem>>, vector<8x105xf32>,
    %get3A_910 = arith.constant 0 : index
    %get3A_911 = arith.constant 39064 : index
    %get3A_912 = vector.load %arg1[%get3A_910, %get3A_911] : memref<8x65536xf32, #tpu.memory_space<vmem>>, vector<8x104xf32>
    %swap3A_913 = arith.constant 0 : index
    %swap3A_914 = arith.constant 27436 : index
    %swap3A_915 = vector.load %arg2[%swap3A_913, %swap3A_914] : memref<8x32896xf32, #tpu.memory_space<vmem>>, vector<8x104xf32>
    tpu.vector_store %arg2[%swap3A_913, %swap3A_914], %get3A_912 {strides = array<i32>} : memref<8x32896xf32, #tpu.memory_space<vmem>>, vector<8x104xf32>,
    %get3A_916 = arith.constant 0 : index
    %get3A_917 = arith.constant 39321 : index
    %get3A_918 = vector.load %arg1[%get3A_916, %get3A_917] : memref<8x65536xf32, #tpu.memory_space<vmem>>, vector<8x103xf32>
    %swap3A_919 = arith.constant 0 : index
    %swap3A_920 = arith.constant 27540 : index
    %swap3A_921 = vector.load %arg2[%swap3A_919, %swap3A_920] : memref<8x32896xf32, #tpu.memory_space<vmem>>, vector<8x103xf32>
    tpu.vector_store %arg2[%swap3A_919, %swap3A_920], %get3A_918 {strides = array<i32>} : memref<8x32896xf32, #tpu.memory_space<vmem>>, vector<8x103xf32>,
    %get3A_922 = arith.constant 0 : index
    %get3A_923 = arith.constant 39578 : index
    %get3A_924 = vector.load %arg1[%get3A_922, %get3A_923] : memref<8x65536xf32, #tpu.memory_space<vmem>>, vector<8x102xf32>
    %swap3A_925 = arith.constant 0 : index
    %swap3A_926 = arith.constant 27643 : index
    %swap3A_927 = vector.load %arg2[%swap3A_925, %swap3A_926] : memref<8x32896xf32, #tpu.memory_space<vmem>>, vector<8x102xf32>
    tpu.vector_store %arg2[%swap3A_925, %swap3A_926], %get3A_924 {strides = array<i32>} : memref<8x32896xf32, #tpu.memory_space<vmem>>, vector<8x102xf32>,
    %get3A_928 = arith.constant 0 : index
    %get3A_929 = arith.constant 39835 : index
    %get3A_930 = vector.load %arg1[%get3A_928, %get3A_929] : memref<8x65536xf32, #tpu.memory_space<vmem>>, vector<8x101xf32>
    %swap3A_931 = arith.constant 0 : index
    %swap3A_932 = arith.constant 27745 : index
    %swap3A_933 = vector.load %arg2[%swap3A_931, %swap3A_932] : memref<8x32896xf32, #tpu.memory_space<vmem>>, vector<8x101xf32>
    tpu.vector_store %arg2[%swap3A_931, %swap3A_932], %get3A_930 {strides = array<i32>} : memref<8x32896xf32, #tpu.memory_space<vmem>>, vector<8x101xf32>,
    %get3A_934 = arith.constant 0 : index
    %get3A_935 = arith.constant 40092 : index
    %get3A_936 = vector.load %arg1[%get3A_934, %get3A_935] : memref<8x65536xf32, #tpu.memory_space<vmem>>, vector<8x100xf32>
    %swap3A_937 = arith.constant 0 : index
    %swap3A_938 = arith.constant 27846 : index
    %swap3A_939 = vector.load %arg2[%swap3A_937, %swap3A_938] : memref<8x32896xf32, #tpu.memory_space<vmem>>, vector<8x100xf32>
    tpu.vector_store %arg2[%swap3A_937, %swap3A_938], %get3A_936 {strides = array<i32>} : memref<8x32896xf32, #tpu.memory_space<vmem>>, vector<8x100xf32>,
    %get3A_940 = arith.constant 0 : index
    %get3A_941 = arith.constant 40349 : index
    %get3A_942 = vector.load %arg1[%get3A_940, %get3A_941] : memref<8x65536xf32, #tpu.memory_space<vmem>>, vector<8x99xf32>
    %swap3A_943 = arith.constant 0 : index
    %swap3A_944 = arith.constant 27946 : index
    %swap3A_945 = vector.load %arg2[%swap3A_943, %swap3A_944] : memref<8x32896xf32, #tpu.memory_space<vmem>>, vector<8x99xf32>
    tpu.vector_store %arg2[%swap3A_943, %swap3A_944], %get3A_942 {strides = array<i32>} : memref<8x32896xf32, #tpu.memory_space<vmem>>, vector<8x99xf32>,
    %get3A_946 = arith.constant 0 : index
    %get3A_947 = arith.constant 40606 : index
    %get3A_948 = vector.load %arg1[%get3A_946, %get3A_947] : memref<8x65536xf32, #tpu.memory_space<vmem>>, vector<8x98xf32>
    %swap3A_949 = arith.constant 0 : index
    %swap3A_950 = arith.constant 28045 : index
    %swap3A_951 = vector.load %arg2[%swap3A_949, %swap3A_950] : memref<8x32896xf32, #tpu.memory_space<vmem>>, vector<8x98xf32>
    tpu.vector_store %arg2[%swap3A_949, %swap3A_950], %get3A_948 {strides = array<i32>} : memref<8x32896xf32, #tpu.memory_space<vmem>>, vector<8x98xf32>,
    %get3A_952 = arith.constant 0 : index
    %get3A_953 = arith.constant 40863 : index
    %get3A_954 = vector.load %arg1[%get3A_952, %get3A_953] : memref<8x65536xf32, #tpu.memory_space<vmem>>, vector<8x97xf32>
    %swap3A_955 = arith.constant 0 : index
    %swap3A_956 = arith.constant 28143 : index
    %swap3A_957 = vector.load %arg2[%swap3A_955, %swap3A_956] : memref<8x32896xf32, #tpu.memory_space<vmem>>, vector<8x97xf32>
    tpu.vector_store %arg2[%swap3A_955, %swap3A_956], %get3A_954 {strides = array<i32>} : memref<8x32896xf32, #tpu.memory_space<vmem>>, vector<8x97xf32>,
    %get3A_958 = arith.constant 0 : index
    %get3A_959 = arith.constant 41120 : index
    %get3A_960 = vector.load %arg1[%get3A_958, %get3A_959] : memref<8x65536xf32, #tpu.memory_space<vmem>>, vector<8x96xf32>
    %swap3A_961 = arith.constant 0 : index
    %swap3A_962 = arith.constant 28240 : index
    %swap3A_963 = vector.load %arg2[%swap3A_961, %swap3A_962] : memref<8x32896xf32, #tpu.memory_space<vmem>>, vector<8x96xf32>
    tpu.vector_store %arg2[%swap3A_961, %swap3A_962], %get3A_960 {strides = array<i32>} : memref<8x32896xf32, #tpu.memory_space<vmem>>, vector<8x96xf32>,
    %get3A_964 = arith.constant 0 : index
    %get3A_965 = arith.constant 41377 : index
    %get3A_966 = vector.load %arg1[%get3A_964, %get3A_965] : memref<8x65536xf32, #tpu.memory_space<vmem>>, vector<8x95xf32>
    %swap3A_967 = arith.constant 0 : index
    %swap3A_968 = arith.constant 28336 : index
    %swap3A_969 = vector.load %arg2[%swap3A_967, %swap3A_968] : memref<8x32896xf32, #tpu.memory_space<vmem>>, vector<8x95xf32>
    tpu.vector_store %arg2[%swap3A_967, %swap3A_968], %get3A_966 {strides = array<i32>} : memref<8x32896xf32, #tpu.memory_space<vmem>>, vector<8x95xf32>,
    %get3A_970 = arith.constant 0 : index
    %get3A_971 = arith.constant 41634 : index
    %get3A_972 = vector.load %arg1[%get3A_970, %get3A_971] : memref<8x65536xf32, #tpu.memory_space<vmem>>, vector<8x94xf32>
    %swap3A_973 = arith.constant 0 : index
    %swap3A_974 = arith.constant 28431 : index
    %swap3A_975 = vector.load %arg2[%swap3A_973, %swap3A_974] : memref<8x32896xf32, #tpu.memory_space<vmem>>, vector<8x94xf32>
    tpu.vector_store %arg2[%swap3A_973, %swap3A_974], %get3A_972 {strides = array<i32>} : memref<8x32896xf32, #tpu.memory_space<vmem>>, vector<8x94xf32>,
    %get3A_976 = arith.constant 0 : index
    %get3A_977 = arith.constant 41891 : index
    %get3A_978 = vector.load %arg1[%get3A_976, %get3A_977] : memref<8x65536xf32, #tpu.memory_space<vmem>>, vector<8x93xf32>
    %swap3A_979 = arith.constant 0 : index
    %swap3A_980 = arith.constant 28525 : index
    %swap3A_981 = vector.load %arg2[%swap3A_979, %swap3A_980] : memref<8x32896xf32, #tpu.memory_space<vmem>>, vector<8x93xf32>
    tpu.vector_store %arg2[%swap3A_979, %swap3A_980], %get3A_978 {strides = array<i32>} : memref<8x32896xf32, #tpu.memory_space<vmem>>, vector<8x93xf32>,
    %get3A_982 = arith.constant 0 : index
    %get3A_983 = arith.constant 42148 : index
    %get3A_984 = vector.load %arg1[%get3A_982, %get3A_983] : memref<8x65536xf32, #tpu.memory_space<vmem>>, vector<8x92xf32>
    %swap3A_985 = arith.constant 0 : index
    %swap3A_986 = arith.constant 28618 : index
    %swap3A_987 = vector.load %arg2[%swap3A_985, %swap3A_986] : memref<8x32896xf32, #tpu.memory_space<vmem>>, vector<8x92xf32>
    tpu.vector_store %arg2[%swap3A_985, %swap3A_986], %get3A_984 {strides = array<i32>} : memref<8x32896xf32, #tpu.memory_space<vmem>>, vector<8x92xf32>,
    %get3A_988 = arith.constant 0 : index
    %get3A_989 = arith.constant 42405 : index
    %get3A_990 = vector.load %arg1[%get3A_988, %get3A_989] : memref<8x65536xf32, #tpu.memory_space<vmem>>, vector<8x91xf32>
    %swap3A_991 = arith.constant 0 : index
    %swap3A_992 = arith.constant 28710 : index
    %swap3A_993 = vector.load %arg2[%swap3A_991, %swap3A_992] : memref<8x32896xf32, #tpu.memory_space<vmem>>, vector<8x91xf32>
    tpu.vector_store %arg2[%swap3A_991, %swap3A_992], %get3A_990 {strides = array<i32>} : memref<8x32896xf32, #tpu.memory_space<vmem>>, vector<8x91xf32>,
    %get3A_994 = arith.constant 0 : index
    %get3A_995 = arith.constant 42662 : index
    %get3A_996 = vector.load %arg1[%get3A_994, %get3A_995] : memref<8x65536xf32, #tpu.memory_space<vmem>>, vector<8x90xf32>
    %swap3A_997 = arith.constant 0 : index
    %swap3A_998 = arith.constant 28801 : index
    %swap3A_999 = vector.load %arg2[%swap3A_997, %swap3A_998] : memref<8x32896xf32, #tpu.memory_space<vmem>>, vector<8x90xf32>
    tpu.vector_store %arg2[%swap3A_997, %swap3A_998], %get3A_996 {strides = array<i32>} : memref<8x32896xf32, #tpu.memory_space<vmem>>, vector<8x90xf32>,
    %get3A_1000 = arith.constant 0 : index
    %get3A_1001 = arith.constant 42919 : index
    %get3A_1002 = vector.load %arg1[%get3A_1000, %get3A_1001] : memref<8x65536xf32, #tpu.memory_space<vmem>>, vector<8x89xf32>
    %swap3A_1003 = arith.constant 0 : index
    %swap3A_1004 = arith.constant 28891 : index
    %swap3A_1005 = vector.load %arg2[%swap3A_1003, %swap3A_1004] : memref<8x32896xf32, #tpu.memory_space<vmem>>, vector<8x89xf32>
    tpu.vector_store %arg2[%swap3A_1003, %swap3A_1004], %get3A_1002 {strides = array<i32>} : memref<8x32896xf32, #tpu.memory_space<vmem>>, vector<8x89xf32>,
    %get3A_1006 = arith.constant 0 : index
    %get3A_1007 = arith.constant 43176 : index
    %get3A_1008 = vector.load %arg1[%get3A_1006, %get3A_1007] : memref<8x65536xf32, #tpu.memory_space<vmem>>, vector<8x88xf32>
    %swap3A_1009 = arith.constant 0 : index
    %swap3A_1010 = arith.constant 28980 : index
    %swap3A_1011 = vector.load %arg2[%swap3A_1009, %swap3A_1010] : memref<8x32896xf32, #tpu.memory_space<vmem>>, vector<8x88xf32>
    tpu.vector_store %arg2[%swap3A_1009, %swap3A_1010], %get3A_1008 {strides = array<i32>} : memref<8x32896xf32, #tpu.memory_space<vmem>>, vector<8x88xf32>,
    %get3A_1012 = arith.constant 0 : index
    %get3A_1013 = arith.constant 43433 : index
    %get3A_1014 = vector.load %arg1[%get3A_1012, %get3A_1013] : memref<8x65536xf32, #tpu.memory_space<vmem>>, vector<8x87xf32>
    %swap3A_1015 = arith.constant 0 : index
    %swap3A_1016 = arith.constant 29068 : index
    %swap3A_1017 = vector.load %arg2[%swap3A_1015, %swap3A_1016] : memref<8x32896xf32, #tpu.memory_space<vmem>>, vector<8x87xf32>
    tpu.vector_store %arg2[%swap3A_1015, %swap3A_1016], %get3A_1014 {strides = array<i32>} : memref<8x32896xf32, #tpu.memory_space<vmem>>, vector<8x87xf32>,
    %get3A_1018 = arith.constant 0 : index
    %get3A_1019 = arith.constant 43690 : index
    %get3A_1020 = vector.load %arg1[%get3A_1018, %get3A_1019] : memref<8x65536xf32, #tpu.memory_space<vmem>>, vector<8x86xf32>
    %swap3A_1021 = arith.constant 0 : index
    %swap3A_1022 = arith.constant 29155 : index
    %swap3A_1023 = vector.load %arg2[%swap3A_1021, %swap3A_1022] : memref<8x32896xf32, #tpu.memory_space<vmem>>, vector<8x86xf32>
    tpu.vector_store %arg2[%swap3A_1021, %swap3A_1022], %get3A_1020 {strides = array<i32>} : memref<8x32896xf32, #tpu.memory_space<vmem>>, vector<8x86xf32>,
    %get3A_1024 = arith.constant 0 : index
    %get3A_1025 = arith.constant 43947 : index
    %get3A_1026 = vector.load %arg1[%get3A_1024, %get3A_1025] : memref<8x65536xf32, #tpu.memory_space<vmem>>, vector<8x85xf32>
    %swap3A_1027 = arith.constant 0 : index
    %swap3A_1028 = arith.constant 29241 : index
    %swap3A_1029 = vector.load %arg2[%swap3A_1027, %swap3A_1028] : memref<8x32896xf32, #tpu.memory_space<vmem>>, vector<8x85xf32>
    tpu.vector_store %arg2[%swap3A_1027, %swap3A_1028], %get3A_1026 {strides = array<i32>} : memref<8x32896xf32, #tpu.memory_space<vmem>>, vector<8x85xf32>,
    %get3A_1030 = arith.constant 0 : index
    %get3A_1031 = arith.constant 44204 : index
    %get3A_1032 = vector.load %arg1[%get3A_1030, %get3A_1031] : memref<8x65536xf32, #tpu.memory_space<vmem>>, vector<8x84xf32>
    %swap3A_1033 = arith.constant 0 : index
    %swap3A_1034 = arith.constant 29326 : index
    %swap3A_1035 = vector.load %arg2[%swap3A_1033, %swap3A_1034] : memref<8x32896xf32, #tpu.memory_space<vmem>>, vector<8x84xf32>
    tpu.vector_store %arg2[%swap3A_1033, %swap3A_1034], %get3A_1032 {strides = array<i32>} : memref<8x32896xf32, #tpu.memory_space<vmem>>, vector<8x84xf32>,
    %get3A_1036 = arith.constant 0 : index
    %get3A_1037 = arith.constant 44461 : index
    %get3A_1038 = vector.load %arg1[%get3A_1036, %get3A_1037] : memref<8x65536xf32, #tpu.memory_space<vmem>>, vector<8x83xf32>
    %swap3A_1039 = arith.constant 0 : index
    %swap3A_1040 = arith.constant 29410 : index
    %swap3A_1041 = vector.load %arg2[%swap3A_1039, %swap3A_1040] : memref<8x32896xf32, #tpu.memory_space<vmem>>, vector<8x83xf32>
    tpu.vector_store %arg2[%swap3A_1039, %swap3A_1040], %get3A_1038 {strides = array<i32>} : memref<8x32896xf32, #tpu.memory_space<vmem>>, vector<8x83xf32>,
    %get3A_1042 = arith.constant 0 : index
    %get3A_1043 = arith.constant 44718 : index
    %get3A_1044 = vector.load %arg1[%get3A_1042, %get3A_1043] : memref<8x65536xf32, #tpu.memory_space<vmem>>, vector<8x82xf32>
    %swap3A_1045 = arith.constant 0 : index
    %swap3A_1046 = arith.constant 29493 : index
    %swap3A_1047 = vector.load %arg2[%swap3A_1045, %swap3A_1046] : memref<8x32896xf32, #tpu.memory_space<vmem>>, vector<8x82xf32>
    tpu.vector_store %arg2[%swap3A_1045, %swap3A_1046], %get3A_1044 {strides = array<i32>} : memref<8x32896xf32, #tpu.memory_space<vmem>>, vector<8x82xf32>,
    %get3A_1048 = arith.constant 0 : index
    %get3A_1049 = arith.constant 44975 : index
    %get3A_1050 = vector.load %arg1[%get3A_1048, %get3A_1049] : memref<8x65536xf32, #tpu.memory_space<vmem>>, vector<8x81xf32>
    %swap3A_1051 = arith.constant 0 : index
    %swap3A_1052 = arith.constant 29575 : index
    %swap3A_1053 = vector.load %arg2[%swap3A_1051, %swap3A_1052] : memref<8x32896xf32, #tpu.memory_space<vmem>>, vector<8x81xf32>
    tpu.vector_store %arg2[%swap3A_1051, %swap3A_1052], %get3A_1050 {strides = array<i32>} : memref<8x32896xf32, #tpu.memory_space<vmem>>, vector<8x81xf32>,
    %get3A_1054 = arith.constant 0 : index
    %get3A_1055 = arith.constant 45232 : index
    %get3A_1056 = vector.load %arg1[%get3A_1054, %get3A_1055] : memref<8x65536xf32, #tpu.memory_space<vmem>>, vector<8x80xf32>
    %swap3A_1057 = arith.constant 0 : index
    %swap3A_1058 = arith.constant 29656 : index
    %swap3A_1059 = vector.load %arg2[%swap3A_1057, %swap3A_1058] : memref<8x32896xf32, #tpu.memory_space<vmem>>, vector<8x80xf32>
    tpu.vector_store %arg2[%swap3A_1057, %swap3A_1058], %get3A_1056 {strides = array<i32>} : memref<8x32896xf32, #tpu.memory_space<vmem>>, vector<8x80xf32>,
    %get3A_1060 = arith.constant 0 : index
    %get3A_1061 = arith.constant 45489 : index
    %get3A_1062 = vector.load %arg1[%get3A_1060, %get3A_1061] : memref<8x65536xf32, #tpu.memory_space<vmem>>, vector<8x79xf32>
    %swap3A_1063 = arith.constant 0 : index
    %swap3A_1064 = arith.constant 29736 : index
    %swap3A_1065 = vector.load %arg2[%swap3A_1063, %swap3A_1064] : memref<8x32896xf32, #tpu.memory_space<vmem>>, vector<8x79xf32>
    tpu.vector_store %arg2[%swap3A_1063, %swap3A_1064], %get3A_1062 {strides = array<i32>} : memref<8x32896xf32, #tpu.memory_space<vmem>>, vector<8x79xf32>,
    %get3A_1066 = arith.constant 0 : index
    %get3A_1067 = arith.constant 45746 : index
    %get3A_1068 = vector.load %arg1[%get3A_1066, %get3A_1067] : memref<8x65536xf32, #tpu.memory_space<vmem>>, vector<8x78xf32>
    %swap3A_1069 = arith.constant 0 : index
    %swap3A_1070 = arith.constant 29815 : index
    %swap3A_1071 = vector.load %arg2[%swap3A_1069, %swap3A_1070] : memref<8x32896xf32, #tpu.memory_space<vmem>>, vector<8x78xf32>
    tpu.vector_store %arg2[%swap3A_1069, %swap3A_1070], %get3A_1068 {strides = array<i32>} : memref<8x32896xf32, #tpu.memory_space<vmem>>, vector<8x78xf32>,
    %get3A_1072 = arith.constant 0 : index
    %get3A_1073 = arith.constant 46003 : index
    %get3A_1074 = vector.load %arg1[%get3A_1072, %get3A_1073] : memref<8x65536xf32, #tpu.memory_space<vmem>>, vector<8x77xf32>
    %swap3A_1075 = arith.constant 0 : index
    %swap3A_1076 = arith.constant 29893 : index
    %swap3A_1077 = vector.load %arg2[%swap3A_1075, %swap3A_1076] : memref<8x32896xf32, #tpu.memory_space<vmem>>, vector<8x77xf32>
    tpu.vector_store %arg2[%swap3A_1075, %swap3A_1076], %get3A_1074 {strides = array<i32>} : memref<8x32896xf32, #tpu.memory_space<vmem>>, vector<8x77xf32>,
    %get3A_1078 = arith.constant 0 : index
    %get3A_1079 = arith.constant 46260 : index
    %get3A_1080 = vector.load %arg1[%get3A_1078, %get3A_1079] : memref<8x65536xf32, #tpu.memory_space<vmem>>, vector<8x76xf32>
    %swap3A_1081 = arith.constant 0 : index
    %swap3A_1082 = arith.constant 29970 : index
    %swap3A_1083 = vector.load %arg2[%swap3A_1081, %swap3A_1082] : memref<8x32896xf32, #tpu.memory_space<vmem>>, vector<8x76xf32>
    tpu.vector_store %arg2[%swap3A_1081, %swap3A_1082], %get3A_1080 {strides = array<i32>} : memref<8x32896xf32, #tpu.memory_space<vmem>>, vector<8x76xf32>,
    %get3A_1084 = arith.constant 0 : index
    %get3A_1085 = arith.constant 46517 : index
    %get3A_1086 = vector.load %arg1[%get3A_1084, %get3A_1085] : memref<8x65536xf32, #tpu.memory_space<vmem>>, vector<8x75xf32>
    %swap3A_1087 = arith.constant 0 : index
    %swap3A_1088 = arith.constant 30046 : index
    %swap3A_1089 = vector.load %arg2[%swap3A_1087, %swap3A_1088] : memref<8x32896xf32, #tpu.memory_space<vmem>>, vector<8x75xf32>
    tpu.vector_store %arg2[%swap3A_1087, %swap3A_1088], %get3A_1086 {strides = array<i32>} : memref<8x32896xf32, #tpu.memory_space<vmem>>, vector<8x75xf32>,
    %get3A_1090 = arith.constant 0 : index
    %get3A_1091 = arith.constant 46774 : index
    %get3A_1092 = vector.load %arg1[%get3A_1090, %get3A_1091] : memref<8x65536xf32, #tpu.memory_space<vmem>>, vector<8x74xf32>
    %swap3A_1093 = arith.constant 0 : index
    %swap3A_1094 = arith.constant 30121 : index
    %swap3A_1095 = vector.load %arg2[%swap3A_1093, %swap3A_1094] : memref<8x32896xf32, #tpu.memory_space<vmem>>, vector<8x74xf32>
    tpu.vector_store %arg2[%swap3A_1093, %swap3A_1094], %get3A_1092 {strides = array<i32>} : memref<8x32896xf32, #tpu.memory_space<vmem>>, vector<8x74xf32>,
    %get3A_1096 = arith.constant 0 : index
    %get3A_1097 = arith.constant 47031 : index
    %get3A_1098 = vector.load %arg1[%get3A_1096, %get3A_1097] : memref<8x65536xf32, #tpu.memory_space<vmem>>, vector<8x73xf32>
    %swap3A_1099 = arith.constant 0 : index
    %swap3A_1100 = arith.constant 30195 : index
    %swap3A_1101 = vector.load %arg2[%swap3A_1099, %swap3A_1100] : memref<8x32896xf32, #tpu.memory_space<vmem>>, vector<8x73xf32>
    tpu.vector_store %arg2[%swap3A_1099, %swap3A_1100], %get3A_1098 {strides = array<i32>} : memref<8x32896xf32, #tpu.memory_space<vmem>>, vector<8x73xf32>,
    %get3A_1102 = arith.constant 0 : index
    %get3A_1103 = arith.constant 47288 : index
    %get3A_1104 = vector.load %arg1[%get3A_1102, %get3A_1103] : memref<8x65536xf32, #tpu.memory_space<vmem>>, vector<8x72xf32>
    %swap3A_1105 = arith.constant 0 : index
    %swap3A_1106 = arith.constant 30268 : index
    %swap3A_1107 = vector.load %arg2[%swap3A_1105, %swap3A_1106] : memref<8x32896xf32, #tpu.memory_space<vmem>>, vector<8x72xf32>
    tpu.vector_store %arg2[%swap3A_1105, %swap3A_1106], %get3A_1104 {strides = array<i32>} : memref<8x32896xf32, #tpu.memory_space<vmem>>, vector<8x72xf32>,
    %get3A_1108 = arith.constant 0 : index
    %get3A_1109 = arith.constant 47545 : index
    %get3A_1110 = vector.load %arg1[%get3A_1108, %get3A_1109] : memref<8x65536xf32, #tpu.memory_space<vmem>>, vector<8x71xf32>
    %swap3A_1111 = arith.constant 0 : index
    %swap3A_1112 = arith.constant 30340 : index
    %swap3A_1113 = vector.load %arg2[%swap3A_1111, %swap3A_1112] : memref<8x32896xf32, #tpu.memory_space<vmem>>, vector<8x71xf32>
    tpu.vector_store %arg2[%swap3A_1111, %swap3A_1112], %get3A_1110 {strides = array<i32>} : memref<8x32896xf32, #tpu.memory_space<vmem>>, vector<8x71xf32>,
    %get3A_1114 = arith.constant 0 : index
    %get3A_1115 = arith.constant 47802 : index
    %get3A_1116 = vector.load %arg1[%get3A_1114, %get3A_1115] : memref<8x65536xf32, #tpu.memory_space<vmem>>, vector<8x70xf32>
    %swap3A_1117 = arith.constant 0 : index
    %swap3A_1118 = arith.constant 30411 : index
    %swap3A_1119 = vector.load %arg2[%swap3A_1117, %swap3A_1118] : memref<8x32896xf32, #tpu.memory_space<vmem>>, vector<8x70xf32>
    tpu.vector_store %arg2[%swap3A_1117, %swap3A_1118], %get3A_1116 {strides = array<i32>} : memref<8x32896xf32, #tpu.memory_space<vmem>>, vector<8x70xf32>,
    %get3A_1120 = arith.constant 0 : index
    %get3A_1121 = arith.constant 48059 : index
    %get3A_1122 = vector.load %arg1[%get3A_1120, %get3A_1121] : memref<8x65536xf32, #tpu.memory_space<vmem>>, vector<8x69xf32>
    %swap3A_1123 = arith.constant 0 : index
    %swap3A_1124 = arith.constant 30481 : index
    %swap3A_1125 = vector.load %arg2[%swap3A_1123, %swap3A_1124] : memref<8x32896xf32, #tpu.memory_space<vmem>>, vector<8x69xf32>
    tpu.vector_store %arg2[%swap3A_1123, %swap3A_1124], %get3A_1122 {strides = array<i32>} : memref<8x32896xf32, #tpu.memory_space<vmem>>, vector<8x69xf32>,
    %get3A_1126 = arith.constant 0 : index
    %get3A_1127 = arith.constant 48316 : index
    %get3A_1128 = vector.load %arg1[%get3A_1126, %get3A_1127] : memref<8x65536xf32, #tpu.memory_space<vmem>>, vector<8x68xf32>
    %swap3A_1129 = arith.constant 0 : index
    %swap3A_1130 = arith.constant 30550 : index
    %swap3A_1131 = vector.load %arg2[%swap3A_1129, %swap3A_1130] : memref<8x32896xf32, #tpu.memory_space<vmem>>, vector<8x68xf32>
    tpu.vector_store %arg2[%swap3A_1129, %swap3A_1130], %get3A_1128 {strides = array<i32>} : memref<8x32896xf32, #tpu.memory_space<vmem>>, vector<8x68xf32>,
    %get3A_1132 = arith.constant 0 : index
    %get3A_1133 = arith.constant 48573 : index
    %get3A_1134 = vector.load %arg1[%get3A_1132, %get3A_1133] : memref<8x65536xf32, #tpu.memory_space<vmem>>, vector<8x67xf32>
    %swap3A_1135 = arith.constant 0 : index
    %swap3A_1136 = arith.constant 30618 : index
    %swap3A_1137 = vector.load %arg2[%swap3A_1135, %swap3A_1136] : memref<8x32896xf32, #tpu.memory_space<vmem>>, vector<8x67xf32>
    tpu.vector_store %arg2[%swap3A_1135, %swap3A_1136], %get3A_1134 {strides = array<i32>} : memref<8x32896xf32, #tpu.memory_space<vmem>>, vector<8x67xf32>,
    %get3A_1138 = arith.constant 0 : index
    %get3A_1139 = arith.constant 48830 : index
    %get3A_1140 = vector.load %arg1[%get3A_1138, %get3A_1139] : memref<8x65536xf32, #tpu.memory_space<vmem>>, vector<8x66xf32>
    %swap3A_1141 = arith.constant 0 : index
    %swap3A_1142 = arith.constant 30685 : index
    %swap3A_1143 = vector.load %arg2[%swap3A_1141, %swap3A_1142] : memref<8x32896xf32, #tpu.memory_space<vmem>>, vector<8x66xf32>
    tpu.vector_store %arg2[%swap3A_1141, %swap3A_1142], %get3A_1140 {strides = array<i32>} : memref<8x32896xf32, #tpu.memory_space<vmem>>, vector<8x66xf32>,
    %get3A_1144 = arith.constant 0 : index
    %get3A_1145 = arith.constant 49087 : index
    %get3A_1146 = vector.load %arg1[%get3A_1144, %get3A_1145] : memref<8x65536xf32, #tpu.memory_space<vmem>>, vector<8x65xf32>
    %swap3A_1147 = arith.constant 0 : index
    %swap3A_1148 = arith.constant 30751 : index
    %swap3A_1149 = vector.load %arg2[%swap3A_1147, %swap3A_1148] : memref<8x32896xf32, #tpu.memory_space<vmem>>, vector<8x65xf32>
    tpu.vector_store %arg2[%swap3A_1147, %swap3A_1148], %get3A_1146 {strides = array<i32>} : memref<8x32896xf32, #tpu.memory_space<vmem>>, vector<8x65xf32>,
    %get3A_1150 = arith.constant 0 : index
    %get3A_1151 = arith.constant 49344 : index
    %get3A_1152 = vector.load %arg1[%get3A_1150, %get3A_1151] : memref<8x65536xf32, #tpu.memory_space<vmem>>, vector<8x64xf32>
    %swap3A_1153 = arith.constant 0 : index
    %swap3A_1154 = arith.constant 30816 : index
    %swap3A_1155 = vector.load %arg2[%swap3A_1153, %swap3A_1154] : memref<8x32896xf32, #tpu.memory_space<vmem>>, vector<8x64xf32>
    tpu.vector_store %arg2[%swap3A_1153, %swap3A_1154], %get3A_1152 {strides = array<i32>} : memref<8x32896xf32, #tpu.memory_space<vmem>>, vector<8x64xf32>,
    %get3A_1156 = arith.constant 0 : index
    %get3A_1157 = arith.constant 49601 : index
    %get3A_1158 = vector.load %arg1[%get3A_1156, %get3A_1157] : memref<8x65536xf32, #tpu.memory_space<vmem>>, vector<8x63xf32>
    %swap3A_1159 = arith.constant 0 : index
    %swap3A_1160 = arith.constant 30880 : index
    %swap3A_1161 = vector.load %arg2[%swap3A_1159, %swap3A_1160] : memref<8x32896xf32, #tpu.memory_space<vmem>>, vector<8x63xf32>
    tpu.vector_store %arg2[%swap3A_1159, %swap3A_1160], %get3A_1158 {strides = array<i32>} : memref<8x32896xf32, #tpu.memory_space<vmem>>, vector<8x63xf32>,
    %get3A_1162 = arith.constant 0 : index
    %get3A_1163 = arith.constant 49858 : index
    %get3A_1164 = vector.load %arg1[%get3A_1162, %get3A_1163] : memref<8x65536xf32, #tpu.memory_space<vmem>>, vector<8x62xf32>
    %swap3A_1165 = arith.constant 0 : index
    %swap3A_1166 = arith.constant 30943 : index
    %swap3A_1167 = vector.load %arg2[%swap3A_1165, %swap3A_1166] : memref<8x32896xf32, #tpu.memory_space<vmem>>, vector<8x62xf32>
    tpu.vector_store %arg2[%swap3A_1165, %swap3A_1166], %get3A_1164 {strides = array<i32>} : memref<8x32896xf32, #tpu.memory_space<vmem>>, vector<8x62xf32>,
    %get3A_1168 = arith.constant 0 : index
    %get3A_1169 = arith.constant 50115 : index
    %get3A_1170 = vector.load %arg1[%get3A_1168, %get3A_1169] : memref<8x65536xf32, #tpu.memory_space<vmem>>, vector<8x61xf32>
    %swap3A_1171 = arith.constant 0 : index
    %swap3A_1172 = arith.constant 31005 : index
    %swap3A_1173 = vector.load %arg2[%swap3A_1171, %swap3A_1172] : memref<8x32896xf32, #tpu.memory_space<vmem>>, vector<8x61xf32>
    tpu.vector_store %arg2[%swap3A_1171, %swap3A_1172], %get3A_1170 {strides = array<i32>} : memref<8x32896xf32, #tpu.memory_space<vmem>>, vector<8x61xf32>,
    %get3A_1174 = arith.constant 0 : index
    %get3A_1175 = arith.constant 50372 : index
    %get3A_1176 = vector.load %arg1[%get3A_1174, %get3A_1175] : memref<8x65536xf32, #tpu.memory_space<vmem>>, vector<8x60xf32>
    %swap3A_1177 = arith.constant 0 : index
    %swap3A_1178 = arith.constant 31066 : index
    %swap3A_1179 = vector.load %arg2[%swap3A_1177, %swap3A_1178] : memref<8x32896xf32, #tpu.memory_space<vmem>>, vector<8x60xf32>
    tpu.vector_store %arg2[%swap3A_1177, %swap3A_1178], %get3A_1176 {strides = array<i32>} : memref<8x32896xf32, #tpu.memory_space<vmem>>, vector<8x60xf32>,
    %get3A_1180 = arith.constant 0 : index
    %get3A_1181 = arith.constant 50629 : index
    %get3A_1182 = vector.load %arg1[%get3A_1180, %get3A_1181] : memref<8x65536xf32, #tpu.memory_space<vmem>>, vector<8x59xf32>
    %swap3A_1183 = arith.constant 0 : index
    %swap3A_1184 = arith.constant 31126 : index
    %swap3A_1185 = vector.load %arg2[%swap3A_1183, %swap3A_1184] : memref<8x32896xf32, #tpu.memory_space<vmem>>, vector<8x59xf32>
    tpu.vector_store %arg2[%swap3A_1183, %swap3A_1184], %get3A_1182 {strides = array<i32>} : memref<8x32896xf32, #tpu.memory_space<vmem>>, vector<8x59xf32>,
    %get3A_1186 = arith.constant 0 : index
    %get3A_1187 = arith.constant 50886 : index
    %get3A_1188 = vector.load %arg1[%get3A_1186, %get3A_1187] : memref<8x65536xf32, #tpu.memory_space<vmem>>, vector<8x58xf32>
    %swap3A_1189 = arith.constant 0 : index
    %swap3A_1190 = arith.constant 31185 : index
    %swap3A_1191 = vector.load %arg2[%swap3A_1189, %swap3A_1190] : memref<8x32896xf32, #tpu.memory_space<vmem>>, vector<8x58xf32>
    tpu.vector_store %arg2[%swap3A_1189, %swap3A_1190], %get3A_1188 {strides = array<i32>} : memref<8x32896xf32, #tpu.memory_space<vmem>>, vector<8x58xf32>,
    %get3A_1192 = arith.constant 0 : index
    %get3A_1193 = arith.constant 51143 : index
    %get3A_1194 = vector.load %arg1[%get3A_1192, %get3A_1193] : memref<8x65536xf32, #tpu.memory_space<vmem>>, vector<8x57xf32>
    %swap3A_1195 = arith.constant 0 : index
    %swap3A_1196 = arith.constant 31243 : index
    %swap3A_1197 = vector.load %arg2[%swap3A_1195, %swap3A_1196] : memref<8x32896xf32, #tpu.memory_space<vmem>>, vector<8x57xf32>
    tpu.vector_store %arg2[%swap3A_1195, %swap3A_1196], %get3A_1194 {strides = array<i32>} : memref<8x32896xf32, #tpu.memory_space<vmem>>, vector<8x57xf32>,
    %get3A_1198 = arith.constant 0 : index
    %get3A_1199 = arith.constant 51400 : index
    %get3A_1200 = vector.load %arg1[%get3A_1198, %get3A_1199] : memref<8x65536xf32, #tpu.memory_space<vmem>>, vector<8x56xf32>
    %swap3A_1201 = arith.constant 0 : index
    %swap3A_1202 = arith.constant 31300 : index
    %swap3A_1203 = vector.load %arg2[%swap3A_1201, %swap3A_1202] : memref<8x32896xf32, #tpu.memory_space<vmem>>, vector<8x56xf32>
    tpu.vector_store %arg2[%swap3A_1201, %swap3A_1202], %get3A_1200 {strides = array<i32>} : memref<8x32896xf32, #tpu.memory_space<vmem>>, vector<8x56xf32>,
    %get3A_1204 = arith.constant 0 : index
    %get3A_1205 = arith.constant 51657 : index
    %get3A_1206 = vector.load %arg1[%get3A_1204, %get3A_1205] : memref<8x65536xf32, #tpu.memory_space<vmem>>, vector<8x55xf32>
    %swap3A_1207 = arith.constant 0 : index
    %swap3A_1208 = arith.constant 31356 : index
    %swap3A_1209 = vector.load %arg2[%swap3A_1207, %swap3A_1208] : memref<8x32896xf32, #tpu.memory_space<vmem>>, vector<8x55xf32>
    tpu.vector_store %arg2[%swap3A_1207, %swap3A_1208], %get3A_1206 {strides = array<i32>} : memref<8x32896xf32, #tpu.memory_space<vmem>>, vector<8x55xf32>,
    %get3A_1210 = arith.constant 0 : index
    %get3A_1211 = arith.constant 51914 : index
    %get3A_1212 = vector.load %arg1[%get3A_1210, %get3A_1211] : memref<8x65536xf32, #tpu.memory_space<vmem>>, vector<8x54xf32>
    %swap3A_1213 = arith.constant 0 : index
    %swap3A_1214 = arith.constant 31411 : index
    %swap3A_1215 = vector.load %arg2[%swap3A_1213, %swap3A_1214] : memref<8x32896xf32, #tpu.memory_space<vmem>>, vector<8x54xf32>
    tpu.vector_store %arg2[%swap3A_1213, %swap3A_1214], %get3A_1212 {strides = array<i32>} : memref<8x32896xf32, #tpu.memory_space<vmem>>, vector<8x54xf32>,
    %get3A_1216 = arith.constant 0 : index
    %get3A_1217 = arith.constant 52171 : index
    %get3A_1218 = vector.load %arg1[%get3A_1216, %get3A_1217] : memref<8x65536xf32, #tpu.memory_space<vmem>>, vector<8x53xf32>
    %swap3A_1219 = arith.constant 0 : index
    %swap3A_1220 = arith.constant 31465 : index
    %swap3A_1221 = vector.load %arg2[%swap3A_1219, %swap3A_1220] : memref<8x32896xf32, #tpu.memory_space<vmem>>, vector<8x53xf32>
    tpu.vector_store %arg2[%swap3A_1219, %swap3A_1220], %get3A_1218 {strides = array<i32>} : memref<8x32896xf32, #tpu.memory_space<vmem>>, vector<8x53xf32>,
    %get3A_1222 = arith.constant 0 : index
    %get3A_1223 = arith.constant 52428 : index
    %get3A_1224 = vector.load %arg1[%get3A_1222, %get3A_1223] : memref<8x65536xf32, #tpu.memory_space<vmem>>, vector<8x52xf32>
    %swap3A_1225 = arith.constant 0 : index
    %swap3A_1226 = arith.constant 31518 : index
    %swap3A_1227 = vector.load %arg2[%swap3A_1225, %swap3A_1226] : memref<8x32896xf32, #tpu.memory_space<vmem>>, vector<8x52xf32>
    tpu.vector_store %arg2[%swap3A_1225, %swap3A_1226], %get3A_1224 {strides = array<i32>} : memref<8x32896xf32, #tpu.memory_space<vmem>>, vector<8x52xf32>,
    %get3A_1228 = arith.constant 0 : index
    %get3A_1229 = arith.constant 52685 : index
    %get3A_1230 = vector.load %arg1[%get3A_1228, %get3A_1229] : memref<8x65536xf32, #tpu.memory_space<vmem>>, vector<8x51xf32>
    %swap3A_1231 = arith.constant 0 : index
    %swap3A_1232 = arith.constant 31570 : index
    %swap3A_1233 = vector.load %arg2[%swap3A_1231, %swap3A_1232] : memref<8x32896xf32, #tpu.memory_space<vmem>>, vector<8x51xf32>
    tpu.vector_store %arg2[%swap3A_1231, %swap3A_1232], %get3A_1230 {strides = array<i32>} : memref<8x32896xf32, #tpu.memory_space<vmem>>, vector<8x51xf32>,
    %get3A_1234 = arith.constant 0 : index
    %get3A_1235 = arith.constant 52942 : index
    %get3A_1236 = vector.load %arg1[%get3A_1234, %get3A_1235] : memref<8x65536xf32, #tpu.memory_space<vmem>>, vector<8x50xf32>
    %swap3A_1237 = arith.constant 0 : index
    %swap3A_1238 = arith.constant 31621 : index
    %swap3A_1239 = vector.load %arg2[%swap3A_1237, %swap3A_1238] : memref<8x32896xf32, #tpu.memory_space<vmem>>, vector<8x50xf32>
    tpu.vector_store %arg2[%swap3A_1237, %swap3A_1238], %get3A_1236 {strides = array<i32>} : memref<8x32896xf32, #tpu.memory_space<vmem>>, vector<8x50xf32>,
    %get3A_1240 = arith.constant 0 : index
    %get3A_1241 = arith.constant 53199 : index
    %get3A_1242 = vector.load %arg1[%get3A_1240, %get3A_1241] : memref<8x65536xf32, #tpu.memory_space<vmem>>, vector<8x49xf32>
    %swap3A_1243 = arith.constant 0 : index
    %swap3A_1244 = arith.constant 31671 : index
    %swap3A_1245 = vector.load %arg2[%swap3A_1243, %swap3A_1244] : memref<8x32896xf32, #tpu.memory_space<vmem>>, vector<8x49xf32>
    tpu.vector_store %arg2[%swap3A_1243, %swap3A_1244], %get3A_1242 {strides = array<i32>} : memref<8x32896xf32, #tpu.memory_space<vmem>>, vector<8x49xf32>,
    %get3A_1246 = arith.constant 0 : index
    %get3A_1247 = arith.constant 53456 : index
    %get3A_1248 = vector.load %arg1[%get3A_1246, %get3A_1247] : memref<8x65536xf32, #tpu.memory_space<vmem>>, vector<8x48xf32>
    %swap3A_1249 = arith.constant 0 : index
    %swap3A_1250 = arith.constant 31720 : index
    %swap3A_1251 = vector.load %arg2[%swap3A_1249, %swap3A_1250] : memref<8x32896xf32, #tpu.memory_space<vmem>>, vector<8x48xf32>
    tpu.vector_store %arg2[%swap3A_1249, %swap3A_1250], %get3A_1248 {strides = array<i32>} : memref<8x32896xf32, #tpu.memory_space<vmem>>, vector<8x48xf32>,
    %get3A_1252 = arith.constant 0 : index
    %get3A_1253 = arith.constant 53713 : index
    %get3A_1254 = vector.load %arg1[%get3A_1252, %get3A_1253] : memref<8x65536xf32, #tpu.memory_space<vmem>>, vector<8x47xf32>
    %swap3A_1255 = arith.constant 0 : index
    %swap3A_1256 = arith.constant 31768 : index
    %swap3A_1257 = vector.load %arg2[%swap3A_1255, %swap3A_1256] : memref<8x32896xf32, #tpu.memory_space<vmem>>, vector<8x47xf32>
    tpu.vector_store %arg2[%swap3A_1255, %swap3A_1256], %get3A_1254 {strides = array<i32>} : memref<8x32896xf32, #tpu.memory_space<vmem>>, vector<8x47xf32>,
    %get3A_1258 = arith.constant 0 : index
    %get3A_1259 = arith.constant 53970 : index
    %get3A_1260 = vector.load %arg1[%get3A_1258, %get3A_1259] : memref<8x65536xf32, #tpu.memory_space<vmem>>, vector<8x46xf32>
    %swap3A_1261 = arith.constant 0 : index
    %swap3A_1262 = arith.constant 31815 : index
    %swap3A_1263 = vector.load %arg2[%swap3A_1261, %swap3A_1262] : memref<8x32896xf32, #tpu.memory_space<vmem>>, vector<8x46xf32>
    tpu.vector_store %arg2[%swap3A_1261, %swap3A_1262], %get3A_1260 {strides = array<i32>} : memref<8x32896xf32, #tpu.memory_space<vmem>>, vector<8x46xf32>,
    %get3A_1264 = arith.constant 0 : index
    %get3A_1265 = arith.constant 54227 : index
    %get3A_1266 = vector.load %arg1[%get3A_1264, %get3A_1265] : memref<8x65536xf32, #tpu.memory_space<vmem>>, vector<8x45xf32>
    %swap3A_1267 = arith.constant 0 : index
    %swap3A_1268 = arith.constant 31861 : index
    %swap3A_1269 = vector.load %arg2[%swap3A_1267, %swap3A_1268] : memref<8x32896xf32, #tpu.memory_space<vmem>>, vector<8x45xf32>
    tpu.vector_store %arg2[%swap3A_1267, %swap3A_1268], %get3A_1266 {strides = array<i32>} : memref<8x32896xf32, #tpu.memory_space<vmem>>, vector<8x45xf32>,
    %get3A_1270 = arith.constant 0 : index
    %get3A_1271 = arith.constant 54484 : index
    %get3A_1272 = vector.load %arg1[%get3A_1270, %get3A_1271] : memref<8x65536xf32, #tpu.memory_space<vmem>>, vector<8x44xf32>
    %swap3A_1273 = arith.constant 0 : index
    %swap3A_1274 = arith.constant 31906 : index
    %swap3A_1275 = vector.load %arg2[%swap3A_1273, %swap3A_1274] : memref<8x32896xf32, #tpu.memory_space<vmem>>, vector<8x44xf32>
    tpu.vector_store %arg2[%swap3A_1273, %swap3A_1274], %get3A_1272 {strides = array<i32>} : memref<8x32896xf32, #tpu.memory_space<vmem>>, vector<8x44xf32>,
    %get3A_1276 = arith.constant 0 : index
    %get3A_1277 = arith.constant 54741 : index
    %get3A_1278 = vector.load %arg1[%get3A_1276, %get3A_1277] : memref<8x65536xf32, #tpu.memory_space<vmem>>, vector<8x43xf32>
    %swap3A_1279 = arith.constant 0 : index
    %swap3A_1280 = arith.constant 31950 : index
    %swap3A_1281 = vector.load %arg2[%swap3A_1279, %swap3A_1280] : memref<8x32896xf32, #tpu.memory_space<vmem>>, vector<8x43xf32>
    tpu.vector_store %arg2[%swap3A_1279, %swap3A_1280], %get3A_1278 {strides = array<i32>} : memref<8x32896xf32, #tpu.memory_space<vmem>>, vector<8x43xf32>,
    %get3A_1282 = arith.constant 0 : index
    %get3A_1283 = arith.constant 54998 : index
    %get3A_1284 = vector.load %arg1[%get3A_1282, %get3A_1283] : memref<8x65536xf32, #tpu.memory_space<vmem>>, vector<8x42xf32>
    %swap3A_1285 = arith.constant 0 : index
    %swap3A_1286 = arith.constant 31993 : index
    %swap3A_1287 = vector.load %arg2[%swap3A_1285, %swap3A_1286] : memref<8x32896xf32, #tpu.memory_space<vmem>>, vector<8x42xf32>
    tpu.vector_store %arg2[%swap3A_1285, %swap3A_1286], %get3A_1284 {strides = array<i32>} : memref<8x32896xf32, #tpu.memory_space<vmem>>, vector<8x42xf32>,
    %get3A_1288 = arith.constant 0 : index
    %get3A_1289 = arith.constant 55255 : index
    %get3A_1290 = vector.load %arg1[%get3A_1288, %get3A_1289] : memref<8x65536xf32, #tpu.memory_space<vmem>>, vector<8x41xf32>
    %swap3A_1291 = arith.constant 0 : index
    %swap3A_1292 = arith.constant 32035 : index
    %swap3A_1293 = vector.load %arg2[%swap3A_1291, %swap3A_1292] : memref<8x32896xf32, #tpu.memory_space<vmem>>, vector<8x41xf32>
    tpu.vector_store %arg2[%swap3A_1291, %swap3A_1292], %get3A_1290 {strides = array<i32>} : memref<8x32896xf32, #tpu.memory_space<vmem>>, vector<8x41xf32>,
    %get3A_1294 = arith.constant 0 : index
    %get3A_1295 = arith.constant 55512 : index
    %get3A_1296 = vector.load %arg1[%get3A_1294, %get3A_1295] : memref<8x65536xf32, #tpu.memory_space<vmem>>, vector<8x40xf32>
    %swap3A_1297 = arith.constant 0 : index
    %swap3A_1298 = arith.constant 32076 : index
    %swap3A_1299 = vector.load %arg2[%swap3A_1297, %swap3A_1298] : memref<8x32896xf32, #tpu.memory_space<vmem>>, vector<8x40xf32>
    tpu.vector_store %arg2[%swap3A_1297, %swap3A_1298], %get3A_1296 {strides = array<i32>} : memref<8x32896xf32, #tpu.memory_space<vmem>>, vector<8x40xf32>,
    %get3A_1300 = arith.constant 0 : index
    %get3A_1301 = arith.constant 55769 : index
    %get3A_1302 = vector.load %arg1[%get3A_1300, %get3A_1301] : memref<8x65536xf32, #tpu.memory_space<vmem>>, vector<8x39xf32>
    %swap3A_1303 = arith.constant 0 : index
    %swap3A_1304 = arith.constant 32116 : index
    %swap3A_1305 = vector.load %arg2[%swap3A_1303, %swap3A_1304] : memref<8x32896xf32, #tpu.memory_space<vmem>>, vector<8x39xf32>
    tpu.vector_store %arg2[%swap3A_1303, %swap3A_1304], %get3A_1302 {strides = array<i32>} : memref<8x32896xf32, #tpu.memory_space<vmem>>, vector<8x39xf32>,
    %get3A_1306 = arith.constant 0 : index
    %get3A_1307 = arith.constant 56026 : index
    %get3A_1308 = vector.load %arg1[%get3A_1306, %get3A_1307] : memref<8x65536xf32, #tpu.memory_space<vmem>>, vector<8x38xf32>
    %swap3A_1309 = arith.constant 0 : index
    %swap3A_1310 = arith.constant 32155 : index
    %swap3A_1311 = vector.load %arg2[%swap3A_1309, %swap3A_1310] : memref<8x32896xf32, #tpu.memory_space<vmem>>, vector<8x38xf32>
    tpu.vector_store %arg2[%swap3A_1309, %swap3A_1310], %get3A_1308 {strides = array<i32>} : memref<8x32896xf32, #tpu.memory_space<vmem>>, vector<8x38xf32>,
    %get3A_1312 = arith.constant 0 : index
    %get3A_1313 = arith.constant 56283 : index
    %get3A_1314 = vector.load %arg1[%get3A_1312, %get3A_1313] : memref<8x65536xf32, #tpu.memory_space<vmem>>, vector<8x37xf32>
    %swap3A_1315 = arith.constant 0 : index
    %swap3A_1316 = arith.constant 32193 : index
    %swap3A_1317 = vector.load %arg2[%swap3A_1315, %swap3A_1316] : memref<8x32896xf32, #tpu.memory_space<vmem>>, vector<8x37xf32>
    tpu.vector_store %arg2[%swap3A_1315, %swap3A_1316], %get3A_1314 {strides = array<i32>} : memref<8x32896xf32, #tpu.memory_space<vmem>>, vector<8x37xf32>,
    %get3A_1318 = arith.constant 0 : index
    %get3A_1319 = arith.constant 56540 : index
    %get3A_1320 = vector.load %arg1[%get3A_1318, %get3A_1319] : memref<8x65536xf32, #tpu.memory_space<vmem>>, vector<8x36xf32>
    %swap3A_1321 = arith.constant 0 : index
    %swap3A_1322 = arith.constant 32230 : index
    %swap3A_1323 = vector.load %arg2[%swap3A_1321, %swap3A_1322] : memref<8x32896xf32, #tpu.memory_space<vmem>>, vector<8x36xf32>
    tpu.vector_store %arg2[%swap3A_1321, %swap3A_1322], %get3A_1320 {strides = array<i32>} : memref<8x32896xf32, #tpu.memory_space<vmem>>, vector<8x36xf32>,
    %get3A_1324 = arith.constant 0 : index
    %get3A_1325 = arith.constant 56797 : index
    %get3A_1326 = vector.load %arg1[%get3A_1324, %get3A_1325] : memref<8x65536xf32, #tpu.memory_space<vmem>>, vector<8x35xf32>
    %swap3A_1327 = arith.constant 0 : index
    %swap3A_1328 = arith.constant 32266 : index
    %swap3A_1329 = vector.load %arg2[%swap3A_1327, %swap3A_1328] : memref<8x32896xf32, #tpu.memory_space<vmem>>, vector<8x35xf32>
    tpu.vector_store %arg2[%swap3A_1327, %swap3A_1328], %get3A_1326 {strides = array<i32>} : memref<8x32896xf32, #tpu.memory_space<vmem>>, vector<8x35xf32>,
    %get3A_1330 = arith.constant 0 : index
    %get3A_1331 = arith.constant 57054 : index
    %get3A_1332 = vector.load %arg1[%get3A_1330, %get3A_1331] : memref<8x65536xf32, #tpu.memory_space<vmem>>, vector<8x34xf32>
    %swap3A_1333 = arith.constant 0 : index
    %swap3A_1334 = arith.constant 32301 : index
    %swap3A_1335 = vector.load %arg2[%swap3A_1333, %swap3A_1334] : memref<8x32896xf32, #tpu.memory_space<vmem>>, vector<8x34xf32>
    tpu.vector_store %arg2[%swap3A_1333, %swap3A_1334], %get3A_1332 {strides = array<i32>} : memref<8x32896xf32, #tpu.memory_space<vmem>>, vector<8x34xf32>,
    %get3A_1336 = arith.constant 0 : index
    %get3A_1337 = arith.constant 57311 : index
    %get3A_1338 = vector.load %arg1[%get3A_1336, %get3A_1337] : memref<8x65536xf32, #tpu.memory_space<vmem>>, vector<8x33xf32>
    %swap3A_1339 = arith.constant 0 : index
    %swap3A_1340 = arith.constant 32335 : index
    %swap3A_1341 = vector.load %arg2[%swap3A_1339, %swap3A_1340] : memref<8x32896xf32, #tpu.memory_space<vmem>>, vector<8x33xf32>
    tpu.vector_store %arg2[%swap3A_1339, %swap3A_1340], %get3A_1338 {strides = array<i32>} : memref<8x32896xf32, #tpu.memory_space<vmem>>, vector<8x33xf32>,
    %get3A_1342 = arith.constant 0 : index
    %get3A_1343 = arith.constant 57568 : index
    %get3A_1344 = vector.load %arg1[%get3A_1342, %get3A_1343] : memref<8x65536xf32, #tpu.memory_space<vmem>>, vector<8x32xf32>
    %swap3A_1345 = arith.constant 0 : index
    %swap3A_1346 = arith.constant 32368 : index
    %swap3A_1347 = vector.load %arg2[%swap3A_1345, %swap3A_1346] : memref<8x32896xf32, #tpu.memory_space<vmem>>, vector<8x32xf32>
    tpu.vector_store %arg2[%swap3A_1345, %swap3A_1346], %get3A_1344 {strides = array<i32>} : memref<8x32896xf32, #tpu.memory_space<vmem>>, vector<8x32xf32>,
    %get3A_1348 = arith.constant 0 : index
    %get3A_1349 = arith.constant 57825 : index
    %get3A_1350 = vector.load %arg1[%get3A_1348, %get3A_1349] : memref<8x65536xf32, #tpu.memory_space<vmem>>, vector<8x31xf32>
    %swap3A_1351 = arith.constant 0 : index
    %swap3A_1352 = arith.constant 32400 : index
    %swap3A_1353 = vector.load %arg2[%swap3A_1351, %swap3A_1352] : memref<8x32896xf32, #tpu.memory_space<vmem>>, vector<8x31xf32>
    tpu.vector_store %arg2[%swap3A_1351, %swap3A_1352], %get3A_1350 {strides = array<i32>} : memref<8x32896xf32, #tpu.memory_space<vmem>>, vector<8x31xf32>,
    %get3A_1354 = arith.constant 0 : index
    %get3A_1355 = arith.constant 58082 : index
    %get3A_1356 = vector.load %arg1[%get3A_1354, %get3A_1355] : memref<8x65536xf32, #tpu.memory_space<vmem>>, vector<8x30xf32>
    %swap3A_1357 = arith.constant 0 : index
    %swap3A_1358 = arith.constant 32431 : index
    %swap3A_1359 = vector.load %arg2[%swap3A_1357, %swap3A_1358] : memref<8x32896xf32, #tpu.memory_space<vmem>>, vector<8x30xf32>
    tpu.vector_store %arg2[%swap3A_1357, %swap3A_1358], %get3A_1356 {strides = array<i32>} : memref<8x32896xf32, #tpu.memory_space<vmem>>, vector<8x30xf32>,
    %get3A_1360 = arith.constant 0 : index
    %get3A_1361 = arith.constant 58339 : index
    %get3A_1362 = vector.load %arg1[%get3A_1360, %get3A_1361] : memref<8x65536xf32, #tpu.memory_space<vmem>>, vector<8x29xf32>
    %swap3A_1363 = arith.constant 0 : index
    %swap3A_1364 = arith.constant 32461 : index
    %swap3A_1365 = vector.load %arg2[%swap3A_1363, %swap3A_1364] : memref<8x32896xf32, #tpu.memory_space<vmem>>, vector<8x29xf32>
    tpu.vector_store %arg2[%swap3A_1363, %swap3A_1364], %get3A_1362 {strides = array<i32>} : memref<8x32896xf32, #tpu.memory_space<vmem>>, vector<8x29xf32>,
    %get3A_1366 = arith.constant 0 : index
    %get3A_1367 = arith.constant 58596 : index
    %get3A_1368 = vector.load %arg1[%get3A_1366, %get3A_1367] : memref<8x65536xf32, #tpu.memory_space<vmem>>, vector<8x28xf32>
    %swap3A_1369 = arith.constant 0 : index
    %swap3A_1370 = arith.constant 32490 : index
    %swap3A_1371 = vector.load %arg2[%swap3A_1369, %swap3A_1370] : memref<8x32896xf32, #tpu.memory_space<vmem>>, vector<8x28xf32>
    tpu.vector_store %arg2[%swap3A_1369, %swap3A_1370], %get3A_1368 {strides = array<i32>} : memref<8x32896xf32, #tpu.memory_space<vmem>>, vector<8x28xf32>,
    %get3A_1372 = arith.constant 0 : index
    %get3A_1373 = arith.constant 58853 : index
    %get3A_1374 = vector.load %arg1[%get3A_1372, %get3A_1373] : memref<8x65536xf32, #tpu.memory_space<vmem>>, vector<8x27xf32>
    %swap3A_1375 = arith.constant 0 : index
    %swap3A_1376 = arith.constant 32518 : index
    %swap3A_1377 = vector.load %arg2[%swap3A_1375, %swap3A_1376] : memref<8x32896xf32, #tpu.memory_space<vmem>>, vector<8x27xf32>
    tpu.vector_store %arg2[%swap3A_1375, %swap3A_1376], %get3A_1374 {strides = array<i32>} : memref<8x32896xf32, #tpu.memory_space<vmem>>, vector<8x27xf32>,
    %get3A_1378 = arith.constant 0 : index
    %get3A_1379 = arith.constant 59110 : index
    %get3A_1380 = vector.load %arg1[%get3A_1378, %get3A_1379] : memref<8x65536xf32, #tpu.memory_space<vmem>>, vector<8x26xf32>
    %swap3A_1381 = arith.constant 0 : index
    %swap3A_1382 = arith.constant 32545 : index
    %swap3A_1383 = vector.load %arg2[%swap3A_1381, %swap3A_1382] : memref<8x32896xf32, #tpu.memory_space<vmem>>, vector<8x26xf32>
    tpu.vector_store %arg2[%swap3A_1381, %swap3A_1382], %get3A_1380 {strides = array<i32>} : memref<8x32896xf32, #tpu.memory_space<vmem>>, vector<8x26xf32>,
    %get3A_1384 = arith.constant 0 : index
    %get3A_1385 = arith.constant 59367 : index
    %get3A_1386 = vector.load %arg1[%get3A_1384, %get3A_1385] : memref<8x65536xf32, #tpu.memory_space<vmem>>, vector<8x25xf32>
    %swap3A_1387 = arith.constant 0 : index
    %swap3A_1388 = arith.constant 32571 : index
    %swap3A_1389 = vector.load %arg2[%swap3A_1387, %swap3A_1388] : memref<8x32896xf32, #tpu.memory_space<vmem>>, vector<8x25xf32>
    tpu.vector_store %arg2[%swap3A_1387, %swap3A_1388], %get3A_1386 {strides = array<i32>} : memref<8x32896xf32, #tpu.memory_space<vmem>>, vector<8x25xf32>,
    %get3A_1390 = arith.constant 0 : index
    %get3A_1391 = arith.constant 59624 : index
    %get3A_1392 = vector.load %arg1[%get3A_1390, %get3A_1391] : memref<8x65536xf32, #tpu.memory_space<vmem>>, vector<8x24xf32>
    %swap3A_1393 = arith.constant 0 : index
    %swap3A_1394 = arith.constant 32596 : index
    %swap3A_1395 = vector.load %arg2[%swap3A_1393, %swap3A_1394] : memref<8x32896xf32, #tpu.memory_space<vmem>>, vector<8x24xf32>
    tpu.vector_store %arg2[%swap3A_1393, %swap3A_1394], %get3A_1392 {strides = array<i32>} : memref<8x32896xf32, #tpu.memory_space<vmem>>, vector<8x24xf32>,
    %get3A_1396 = arith.constant 0 : index
    %get3A_1397 = arith.constant 59881 : index
    %get3A_1398 = vector.load %arg1[%get3A_1396, %get3A_1397] : memref<8x65536xf32, #tpu.memory_space<vmem>>, vector<8x23xf32>
    %swap3A_1399 = arith.constant 0 : index
    %swap3A_1400 = arith.constant 32620 : index
    %swap3A_1401 = vector.load %arg2[%swap3A_1399, %swap3A_1400] : memref<8x32896xf32, #tpu.memory_space<vmem>>, vector<8x23xf32>
    tpu.vector_store %arg2[%swap3A_1399, %swap3A_1400], %get3A_1398 {strides = array<i32>} : memref<8x32896xf32, #tpu.memory_space<vmem>>, vector<8x23xf32>,
    %get3A_1402 = arith.constant 0 : index
    %get3A_1403 = arith.constant 60138 : index
    %get3A_1404 = vector.load %arg1[%get3A_1402, %get3A_1403] : memref<8x65536xf32, #tpu.memory_space<vmem>>, vector<8x22xf32>
    %swap3A_1405 = arith.constant 0 : index
    %swap3A_1406 = arith.constant 32643 : index
    %swap3A_1407 = vector.load %arg2[%swap3A_1405, %swap3A_1406] : memref<8x32896xf32, #tpu.memory_space<vmem>>, vector<8x22xf32>
    tpu.vector_store %arg2[%swap3A_1405, %swap3A_1406], %get3A_1404 {strides = array<i32>} : memref<8x32896xf32, #tpu.memory_space<vmem>>, vector<8x22xf32>,
    %get3A_1408 = arith.constant 0 : index
    %get3A_1409 = arith.constant 60395 : index
    %get3A_1410 = vector.load %arg1[%get3A_1408, %get3A_1409] : memref<8x65536xf32, #tpu.memory_space<vmem>>, vector<8x21xf32>
    %swap3A_1411 = arith.constant 0 : index
    %swap3A_1412 = arith.constant 32665 : index
    %swap3A_1413 = vector.load %arg2[%swap3A_1411, %swap3A_1412] : memref<8x32896xf32, #tpu.memory_space<vmem>>, vector<8x21xf32>
    tpu.vector_store %arg2[%swap3A_1411, %swap3A_1412], %get3A_1410 {strides = array<i32>} : memref<8x32896xf32, #tpu.memory_space<vmem>>, vector<8x21xf32>,
    %get3A_1414 = arith.constant 0 : index
    %get3A_1415 = arith.constant 60652 : index
    %get3A_1416 = vector.load %arg1[%get3A_1414, %get3A_1415] : memref<8x65536xf32, #tpu.memory_space<vmem>>, vector<8x20xf32>
    %swap3A_1417 = arith.constant 0 : index
    %swap3A_1418 = arith.constant 32686 : index
    %swap3A_1419 = vector.load %arg2[%swap3A_1417, %swap3A_1418] : memref<8x32896xf32, #tpu.memory_space<vmem>>, vector<8x20xf32>
    tpu.vector_store %arg2[%swap3A_1417, %swap3A_1418], %get3A_1416 {strides = array<i32>} : memref<8x32896xf32, #tpu.memory_space<vmem>>, vector<8x20xf32>,
    %get3A_1420 = arith.constant 0 : index
    %get3A_1421 = arith.constant 60909 : index
    %get3A_1422 = vector.load %arg1[%get3A_1420, %get3A_1421] : memref<8x65536xf32, #tpu.memory_space<vmem>>, vector<8x19xf32>
    %swap3A_1423 = arith.constant 0 : index
    %swap3A_1424 = arith.constant 32706 : index
    %swap3A_1425 = vector.load %arg2[%swap3A_1423, %swap3A_1424] : memref<8x32896xf32, #tpu.memory_space<vmem>>, vector<8x19xf32>
    tpu.vector_store %arg2[%swap3A_1423, %swap3A_1424], %get3A_1422 {strides = array<i32>} : memref<8x32896xf32, #tpu.memory_space<vmem>>, vector<8x19xf32>,
    %get3A_1426 = arith.constant 0 : index
    %get3A_1427 = arith.constant 61166 : index
    %get3A_1428 = vector.load %arg1[%get3A_1426, %get3A_1427] : memref<8x65536xf32, #tpu.memory_space<vmem>>, vector<8x18xf32>
    %swap3A_1429 = arith.constant 0 : index
    %swap3A_1430 = arith.constant 32725 : index
    %swap3A_1431 = vector.load %arg2[%swap3A_1429, %swap3A_1430] : memref<8x32896xf32, #tpu.memory_space<vmem>>, vector<8x18xf32>
    tpu.vector_store %arg2[%swap3A_1429, %swap3A_1430], %get3A_1428 {strides = array<i32>} : memref<8x32896xf32, #tpu.memory_space<vmem>>, vector<8x18xf32>,
    %get3A_1432 = arith.constant 0 : index
    %get3A_1433 = arith.constant 61423 : index
    %get3A_1434 = vector.load %arg1[%get3A_1432, %get3A_1433] : memref<8x65536xf32, #tpu.memory_space<vmem>>, vector<8x17xf32>
    %swap3A_1435 = arith.constant 0 : index
    %swap3A_1436 = arith.constant 32743 : index
    %swap3A_1437 = vector.load %arg2[%swap3A_1435, %swap3A_1436] : memref<8x32896xf32, #tpu.memory_space<vmem>>, vector<8x17xf32>
    tpu.vector_store %arg2[%swap3A_1435, %swap3A_1436], %get3A_1434 {strides = array<i32>} : memref<8x32896xf32, #tpu.memory_space<vmem>>, vector<8x17xf32>,
    %get3A_1438 = arith.constant 0 : index
    %get3A_1439 = arith.constant 61680 : index
    %get3A_1440 = vector.load %arg1[%get3A_1438, %get3A_1439] : memref<8x65536xf32, #tpu.memory_space<vmem>>, vector<8x16xf32>
    %swap3A_1441 = arith.constant 0 : index
    %swap3A_1442 = arith.constant 32760 : index
    %swap3A_1443 = vector.load %arg2[%swap3A_1441, %swap3A_1442] : memref<8x32896xf32, #tpu.memory_space<vmem>>, vector<8x16xf32>
    tpu.vector_store %arg2[%swap3A_1441, %swap3A_1442], %get3A_1440 {strides = array<i32>} : memref<8x32896xf32, #tpu.memory_space<vmem>>, vector<8x16xf32>,
    %get3A_1444 = arith.constant 0 : index
    %get3A_1445 = arith.constant 61937 : index
    %get3A_1446 = vector.load %arg1[%get3A_1444, %get3A_1445] : memref<8x65536xf32, #tpu.memory_space<vmem>>, vector<8x15xf32>
    %swap3A_1447 = arith.constant 0 : index
    %swap3A_1448 = arith.constant 32776 : index
    %swap3A_1449 = vector.load %arg2[%swap3A_1447, %swap3A_1448] : memref<8x32896xf32, #tpu.memory_space<vmem>>, vector<8x15xf32>
    tpu.vector_store %arg2[%swap3A_1447, %swap3A_1448], %get3A_1446 {strides = array<i32>} : memref<8x32896xf32, #tpu.memory_space<vmem>>, vector<8x15xf32>,
    %get3A_1450 = arith.constant 0 : index
    %get3A_1451 = arith.constant 62194 : index
    %get3A_1452 = vector.load %arg1[%get3A_1450, %get3A_1451] : memref<8x65536xf32, #tpu.memory_space<vmem>>, vector<8x14xf32>
    %swap3A_1453 = arith.constant 0 : index
    %swap3A_1454 = arith.constant 32791 : index
    %swap3A_1455 = vector.load %arg2[%swap3A_1453, %swap3A_1454] : memref<8x32896xf32, #tpu.memory_space<vmem>>, vector<8x14xf32>
    tpu.vector_store %arg2[%swap3A_1453, %swap3A_1454], %get3A_1452 {strides = array<i32>} : memref<8x32896xf32, #tpu.memory_space<vmem>>, vector<8x14xf32>,
    %get3A_1456 = arith.constant 0 : index
    %get3A_1457 = arith.constant 62451 : index
    %get3A_1458 = vector.load %arg1[%get3A_1456, %get3A_1457] : memref<8x65536xf32, #tpu.memory_space<vmem>>, vector<8x13xf32>
    %swap3A_1459 = arith.constant 0 : index
    %swap3A_1460 = arith.constant 32805 : index
    %swap3A_1461 = vector.load %arg2[%swap3A_1459, %swap3A_1460] : memref<8x32896xf32, #tpu.memory_space<vmem>>, vector<8x13xf32>
    tpu.vector_store %arg2[%swap3A_1459, %swap3A_1460], %get3A_1458 {strides = array<i32>} : memref<8x32896xf32, #tpu.memory_space<vmem>>, vector<8x13xf32>,
    %get3A_1462 = arith.constant 0 : index
    %get3A_1463 = arith.constant 62708 : index
    %get3A_1464 = vector.load %arg1[%get3A_1462, %get3A_1463] : memref<8x65536xf32, #tpu.memory_space<vmem>>, vector<8x12xf32>
    %swap3A_1465 = arith.constant 0 : index
    %swap3A_1466 = arith.constant 32818 : index
    %swap3A_1467 = vector.load %arg2[%swap3A_1465, %swap3A_1466] : memref<8x32896xf32, #tpu.memory_space<vmem>>, vector<8x12xf32>
    tpu.vector_store %arg2[%swap3A_1465, %swap3A_1466], %get3A_1464 {strides = array<i32>} : memref<8x32896xf32, #tpu.memory_space<vmem>>, vector<8x12xf32>,
    %get3A_1468 = arith.constant 0 : index
    %get3A_1469 = arith.constant 62965 : index
    %get3A_1470 = vector.load %arg1[%get3A_1468, %get3A_1469] : memref<8x65536xf32, #tpu.memory_space<vmem>>, vector<8x11xf32>
    %swap3A_1471 = arith.constant 0 : index
    %swap3A_1472 = arith.constant 32830 : index
    %swap3A_1473 = vector.load %arg2[%swap3A_1471, %swap3A_1472] : memref<8x32896xf32, #tpu.memory_space<vmem>>, vector<8x11xf32>
    tpu.vector_store %arg2[%swap3A_1471, %swap3A_1472], %get3A_1470 {strides = array<i32>} : memref<8x32896xf32, #tpu.memory_space<vmem>>, vector<8x11xf32>,
    %get3A_1474 = arith.constant 0 : index
    %get3A_1475 = arith.constant 63222 : index
    %get3A_1476 = vector.load %arg1[%get3A_1474, %get3A_1475] : memref<8x65536xf32, #tpu.memory_space<vmem>>, vector<8x10xf32>
    %swap3A_1477 = arith.constant 0 : index
    %swap3A_1478 = arith.constant 32841 : index
    %swap3A_1479 = vector.load %arg2[%swap3A_1477, %swap3A_1478] : memref<8x32896xf32, #tpu.memory_space<vmem>>, vector<8x10xf32>
    tpu.vector_store %arg2[%swap3A_1477, %swap3A_1478], %get3A_1476 {strides = array<i32>} : memref<8x32896xf32, #tpu.memory_space<vmem>>, vector<8x10xf32>,
    %get3A_1480 = arith.constant 0 : index
    %get3A_1481 = arith.constant 63479 : index
    %get3A_1482 = vector.load %arg1[%get3A_1480, %get3A_1481] : memref<8x65536xf32, #tpu.memory_space<vmem>>, vector<8x9xf32>
    %swap3A_1483 = arith.constant 0 : index
    %swap3A_1484 = arith.constant 32851 : index
    %swap3A_1485 = vector.load %arg2[%swap3A_1483, %swap3A_1484] : memref<8x32896xf32, #tpu.memory_space<vmem>>, vector<8x9xf32>
    tpu.vector_store %arg2[%swap3A_1483, %swap3A_1484], %get3A_1482 {strides = array<i32>} : memref<8x32896xf32, #tpu.memory_space<vmem>>, vector<8x9xf32>,
    %get3A_1486 = arith.constant 0 : index
    %get3A_1487 = arith.constant 63736 : index
    %get3A_1488 = vector.load %arg1[%get3A_1486, %get3A_1487] : memref<8x65536xf32, #tpu.memory_space<vmem>>, vector<8x8xf32>
    %swap3A_1489 = arith.constant 0 : index
    %swap3A_1490 = arith.constant 32860 : index
    %swap3A_1491 = vector.load %arg2[%swap3A_1489, %swap3A_1490] : memref<8x32896xf32, #tpu.memory_space<vmem>>, vector<8x8xf32>
    tpu.vector_store %arg2[%swap3A_1489, %swap3A_1490], %get3A_1488 {strides = array<i32>} : memref<8x32896xf32, #tpu.memory_space<vmem>>, vector<8x8xf32>,
    %get3A_1492 = arith.constant 0 : index
    %get3A_1493 = arith.constant 63993 : index
    %get3A_1494 = vector.load %arg1[%get3A_1492, %get3A_1493] : memref<8x65536xf32, #tpu.memory_space<vmem>>, vector<8x7xf32>
    %swap3A_1495 = arith.constant 0 : index
    %swap3A_1496 = arith.constant 32868 : index
    %swap3A_1497 = vector.load %arg2[%swap3A_1495, %swap3A_1496] : memref<8x32896xf32, #tpu.memory_space<vmem>>, vector<8x7xf32>
    tpu.vector_store %arg2[%swap3A_1495, %swap3A_1496], %get3A_1494 {strides = array<i32>} : memref<8x32896xf32, #tpu.memory_space<vmem>>, vector<8x7xf32>,
    %get3A_1498 = arith.constant 0 : index
    %get3A_1499 = arith.constant 64250 : index
    %get3A_1500 = vector.load %arg1[%get3A_1498, %get3A_1499] : memref<8x65536xf32, #tpu.memory_space<vmem>>, vector<8x6xf32>
    %swap3A_1501 = arith.constant 0 : index
    %swap3A_1502 = arith.constant 32875 : index
    %swap3A_1503 = vector.load %arg2[%swap3A_1501, %swap3A_1502] : memref<8x32896xf32, #tpu.memory_space<vmem>>, vector<8x6xf32>
    tpu.vector_store %arg2[%swap3A_1501, %swap3A_1502], %get3A_1500 {strides = array<i32>} : memref<8x32896xf32, #tpu.memory_space<vmem>>, vector<8x6xf32>,
    %get3A_1504 = arith.constant 0 : index
    %get3A_1505 = arith.constant 64507 : index
    %get3A_1506 = vector.load %arg1[%get3A_1504, %get3A_1505] : memref<8x65536xf32, #tpu.memory_space<vmem>>, vector<8x5xf32>
    %swap3A_1507 = arith.constant 0 : index
    %swap3A_1508 = arith.constant 32881 : index
    %swap3A_1509 = vector.load %arg2[%swap3A_1507, %swap3A_1508] : memref<8x32896xf32, #tpu.memory_space<vmem>>, vector<8x5xf32>
    tpu.vector_store %arg2[%swap3A_1507, %swap3A_1508], %get3A_1506 {strides = array<i32>} : memref<8x32896xf32, #tpu.memory_space<vmem>>, vector<8x5xf32>,
    %get3A_1510 = arith.constant 0 : index
    %get3A_1511 = arith.constant 64764 : index
    %get3A_1512 = vector.load %arg1[%get3A_1510, %get3A_1511] : memref<8x65536xf32, #tpu.memory_space<vmem>>, vector<8x4xf32>
    %swap3A_1513 = arith.constant 0 : index
    %swap3A_1514 = arith.constant 32886 : index
    %swap3A_1515 = vector.load %arg2[%swap3A_1513, %swap3A_1514] : memref<8x32896xf32, #tpu.memory_space<vmem>>, vector<8x4xf32>
    tpu.vector_store %arg2[%swap3A_1513, %swap3A_1514], %get3A_1512 {strides = array<i32>} : memref<8x32896xf32, #tpu.memory_space<vmem>>, vector<8x4xf32>,
    %get3A_1516 = arith.constant 0 : index
    %get3A_1517 = arith.constant 65021 : index
    %get3A_1518 = vector.load %arg1[%get3A_1516, %get3A_1517] : memref<8x65536xf32, #tpu.memory_space<vmem>>, vector<8x3xf32>
    %swap3A_1519 = arith.constant 0 : index
    %swap3A_1520 = arith.constant 32890 : index
    %swap3A_1521 = vector.load %arg2[%swap3A_1519, %swap3A_1520] : memref<8x32896xf32, #tpu.memory_space<vmem>>, vector<8x3xf32>
    tpu.vector_store %arg2[%swap3A_1519, %swap3A_1520], %get3A_1518 {strides = array<i32>} : memref<8x32896xf32, #tpu.memory_space<vmem>>, vector<8x3xf32>,
    %get3A_1522 = arith.constant 0 : index
    %get3A_1523 = arith.constant 65278 : index
    %get3A_1524 = vector.load %arg1[%get3A_1522, %get3A_1523] : memref<8x65536xf32, #tpu.memory_space<vmem>>, vector<8x2xf32>
    %swap3A_1525 = arith.constant 0 : index
    %swap3A_1526 = arith.constant 32893 : index
    %swap3A_1527 = vector.load %arg2[%swap3A_1525, %swap3A_1526] : memref<8x32896xf32, #tpu.memory_space<vmem>>, vector<8x2xf32>
    tpu.vector_store %arg2[%swap3A_1525, %swap3A_1526], %get3A_1524 {strides = array<i32>} : memref<8x32896xf32, #tpu.memory_space<vmem>>, vector<8x2xf32>,
    %get3A_1528 = arith.constant 0 : index
    %get3A_1529 = arith.constant 65535 : index
    %get3A_1530 = vector.load %arg1[%get3A_1528, %get3A_1529] : memref<8x65536xf32, #tpu.memory_space<vmem>>, vector<8x1xf32>
    %swap3A_1531 = arith.constant 0 : index
    %swap3A_1532 = arith.constant 32895 : index
    %swap3A_1533 = vector.load %arg2[%swap3A_1531, %swap3A_1532] : memref<8x32896xf32, #tpu.memory_space<vmem>>, vector<8x1xf32>
    tpu.vector_store %arg2[%swap3A_1531, %swap3A_1532], %get3A_1530 {strides = array<i32>} : memref<8x32896xf32, #tpu.memory_space<vmem>>, vector<8x1xf32>,
    return
  }
  func.func @transform_0(%arg0: i32) -> (i32, i32) {
    %c0_i32 = arith.constant 0 : i32
    %c0_i32_0 = arith.constant 0 : i32
    return %arg0, %c0_i32 : i32, i32
  }
  func.func @transform_1(%arg0: i32) -> (i32, i32) {
    %c0_i32 = arith.constant 0 : i32
    %c0_i32_0 = arith.constant 0 : i32
    return %arg0, %c0_i32 : i32, i32
  }
}

</mosaic_0001>

<sc_bundles>
// kernel: sparse-core-data-format-call.cloned.1.call-start
scs
called_computation_lowered:
.L_overlay_start_0:
0x0: {  	s2 =	sld [smem:$0x3FD9]  }
0x1: {  	s3 =	sld [smem:$0x3FFE];
	_ =	sdelay $0x1  }
0x2: {  	s1 =	srdreg.scid  }
0x3: {  	s0 =	sand.u32 $0x1, s1  }
0x4: {  	s18 =	sshll.u32 s0, $0xA;
	s2 =	sadd.s32 s3, s2  }
0x5: {  	s2 =	sadd.s32 s2, s18  }
0x6: {  	[smem:$0x3FC7] =	sst s2  }
0x7: {  	_ = 	snop  }
0x8: {  	s2 =	sld [smem:$0x3FC9];
	(tm) =	ssettm $0x1  }
0x9: {  	s19 =	sld [smem:$0x3FFB];
	_ =	sdelay $0x3  }
0xa: {  	_ =	strace s19  }
0xb: {  	s3 =	sld [smem:$0x3FFC];
	_ =	sdelay $0x3  }
0xc: {  	_ =	strace s3  }
0xd: {  	s3 =	sld [smem:$0x3FFD];
	_ =	sdelay $0x3  }
0xe: {  	_ =	strace s3  }
0xf: {  	_ =	strace $0x8FFFFFFF  }
0x10: {  	s20 =	sld [smem:$0x3FDB];
	_ =	sdelay $0x1  }
0x11: {  	s4 =	simm.s32 $_scs_section_size  }
0x12: {  	s5 =	simm.s32 $_size__tile_overlayer_lowered;
	s6 =	simm.s32 $_tile_overlayer_lowered  }
0x13: {  	s23 =	simm.s32 $0x1BFF;
	s22 =	sshll.u32 s6, $0x1;
	s3 =	sadd.s32 s4, s20  }
0x14: {  	s7 =	simm.s32 $0x0;
	s21 =	sshll.u32 s5, $0x1;
	s5 =	sadd.s32 s22, s3  }
0x15: {  	[timem:s7], [sflag:s23] =	dma.local [hbm:s5], s21  }
0x16: {  	_ =	swait.ge [sflag:s23], s21  }
0x17: {  	s4 =	ssub.s32 $0x0, s21;
	[sflag:s23] =	ssyncset.done $0x0  }
0x18: {  	[sflag:s23] =	ssyncadd.s32 s4;
	_ =	sdelay $0x1  }
0x19: {  	s24 =	simm.s32 $0x1B8B  }
0x1a: {  	_ =	swait.ge [sflag:s24], $0x1  }
0x1b: {  	[sflag:s24] =	ssyncset.done $0x0  }
0x1c: {  	s26 =	simm.s32 $0x1B8E;
	s25 =	sld [smem:$0x3FFE];
	[sflag:s24] =	ssyncadd.s32 $0xFFFFFFFF  }
0x1d: {  	s27 =	simm.s32 $execute0_lowered;
	[smem:$0x3FD2] =	sst s26  }
0x1e: {  	s5 =	sshll.u32 s27, $0x1;
	_ =	strace $0x80000046;
	[dreg:$0x1] =	wrdreg $0xFFFFFFFF  }
0x1f: {  	s28 =	simm.s32 $_size_execute0_lowered;
	s3 =	sadd.s32 s3, s5;
	[dreg:$0x0] =	wrdreg $0x0  }
0x20: {  	s5 =	sshll.u32 s28, $0x1;
	[dreg:$0x2] =	wrdreg s3  }
0x21: {  	[dreg:$0x3] =	wrdreg s5  }
0x22: {  	[dreg:$0x4] =	wrdreg $0xC0  }
0x23: {  	_ =	task [dreg:s7], $0x5FFFF  }
0x24: {  	[dreg:$0x1] =	wrdreg $0xFFFFFFFF  }
0x25: {  	[dreg:$0x0] =	wrdreg $0x60  }
0x26: {  	[dreg:$0x2] =	wrdreg s2  }
0x27: {  	[dreg:$0x3] =	wrdreg s25  }
0x28: {  	[dreg:$0x4] =	wrdreg $0x9  }
0x29: {  	_ =	task.clear_ibuf [dreg:s7], $0x5FFFF;
	_ =	strace $0x90000046  }
0x2a: {  	s29 =	simm.s32 $0x9;
	_ =	strace $0x80000048  }
0x2b: {  	_ =	swait.ge [sflag:s29], $0x1  }
0x2c: {  	[sflag:s29] =	ssyncadd.s32 $0xFFFFFFFF  }
0x2d: {  	_ =	strace $0x90000048  }
0x2e: {  	_ =	sfence  }
0x2f: {  	s30 =	sld [smem:$0x0];
	_ =	sdelay $0x2  }
0x30: {  	s31 =	sshll.u32 s1, $0xD;
	s1 =	sshrl.u32 s1, $0x2  }
0x31: {  	s3 =	sand.u32 $0x4000, s31;
	s1 =	sadd.s32 s1, s30  }
0x32: {  	s0 =	sor.u32 s3, s0;
	s1 =	sshll.u32 s1, $0x11  }
0x33: {  	s0 =	sor.u32 s1, s0  }
0x34: {  	s0 =	sadd.s32 $0x8F2B, s0  }
0x35: {  	[sflag:s0] =	ssyncadd.remote.s32 $0x1  }
0x36: {  	_ =	sfence.sel $0xFFFF  }
0x37: {  	[dreg:$0x0] =	wrdreg $0xFFFFFFFF;
	(pc) =	sbr.abs _section_cstart, $3  }
0x38: {  	[dreg:$0x1] =	wrdreg $0xFFFFFFFF  }
0x39: {  	_ =	task.clear_ibuf [dreg:s7], $0x2FFFF;
	_ =	strace $0x9FFFFFFF  }
0x3a: {  	(tm) =	ssettm $0x7FFFFFFF  }
0x3b: {  	_ =	shalt  }
tec
execute0_lowered:
.L_overlay_start_1:
0x0: {  	(tag) =	ssettag $0x1  }
0x1: {  	s2 =	rddreg [dreg:$0x0]  }
0x2: {  	s1 =	rddreg [dreg:$0x1]  }
0x3: {  	s0 =	rddreg [dreg:$0x2];
	_ =	strace $0x80000047;
	s4 =	srdreg.scid  }
0x4: {  	s6 =	simm.s32 $0x2;
	s12 =	simm.s32 $0x0;
	p0 =	por $0x0, $0x0  }
0x5: {  	s13 =	simm.s32 $0x0;
	s15 =	simm.s32 $0x0;
	s14 =	simm.s32 $0x0  }
.Ltmp0:
0x6: {  	s8 =	simm.s32 $0x0;
	s9 =	simm.s32 $0x0;
	(pc) =	sbr.rel .LBB1_1-.Ltmp0, $4  }
0x7: {  	s10 =	simm.s32 $0x0;
	s3 =	sadd.s32 $0x400, s1;
	s5 =	sshll.u32 s4, $0x4  }
0x8: {  	s1 =	stileid.u32;
	s4 =	simm.s32 $0x1;
	s5 =	sand.u32 $0x10, s5  }
0x9: {  	s7 =	simm.s32 $0x0;
	[sflag:s4] =	ssyncpa.u1 $0x0;
	s5 =	sor.u32 s1, s5  }
0xa: {  	[sflag:s6] =	ssyncpa.u1 $0x0;
	s6 =	simm.s32 $0x800;
	s11 =	smov.u32 s5  }
.LBB1_5:
0xb: {  	s16 =	sadd.s32 $0x80, s8  }
0xc: {  	s12 =	sadd.s32 $0x80, s9;
	s17 =	smov.u32 s9;
	p2 =	sgt.s32 s16, $0xFF  }
0xd: {  	s17 =	smov.u32 @p2 s12  }
0xe: {  	s12 =	simm.s32 $0x1;
	p3 =	sgt.s32 s17, $0xFF  }
0xf: {  	s12 =	simm.s32 @!p3 $0x0  }
0x10: {  	s18 =	sadd.s32 s12, s10  }
0x11: {  	s19 =	smov.u32 s11;
	s12 =	sadd.s32 $0x20, s11;
	p4 =	sgt.s32 s18, $0x7  }
0x12: {  	p1 =	slt.u32 s7, $0x2;
	s19 =	smov.u32 @p4 s12  }
0x13: {  	s7 =	sadd.s32 $0x1, s7;
	s16 =	simm.s32 @p2 $0x0;
	p2 =	sgt.s32 s19, $0x7F  }
0x14: {  	s20 =	simm.s32 @!p1 $0x2;
	s19 =	smov.u32 @p2 s5;
	p2 =	sne.s32 s7, $0x82  }
.Ltmp1:
0x15: {  	s13 =	smov.u32 s9;
	_ =	swait.ge @!p1 [sflag:s20], $0x4000;
	(pc) =	sbr.rel @!p2 .LBB1_6-.Ltmp1, $4  }
0x16: {  	s15 =	smov.u32 s10;
	s14 =	smov.u32 s11;
	[sflag:s20] =	ssyncset.done @!p1 $0x0  }
0x17: {  	p0 =	por !p0, !p0;
	s17 =	simm.s32 @p3 $0x0;
	[sflag:s20] =	ssyncadd.s32 @!p1 $0xFFFFC000  }
0x18: {  	s9 =	smov.u32 s17;
	s18 =	simm.s32 @p4 $0x0;
	s12 =	smov.u32 s8  }
0x19: {  	s8 =	smov.u32 s16;
	s10 =	smov.u32 s18;
	s11 =	smov.u32 s19  }
.LBB1_1:
0x1a: {  	p1 =	sgt.u32 s7, $0x7F  }
0x1b: {  	s16 =	sxor.u32 @!p1 $0xFFFFFFFF, s7;
	s17 =	sand.u32 @!p1 $0x78, s8;
	s18 =	sshll.u32 @!p1 s9, $0x8  }
0x1c: {  	s19 =	sshll.u32 @!p1 s8, $0x3;
	s20 =	sshll.u32 @!p1 s9, $0x7;
	s16 =	sshll.u32 @!p1 s16, $0xE  }
0x1d: {  	s18 =	sand.u32 @!p1 $0xF800, s18;
	s19 =	sand.u32 @!p1 $0xFC00, s19;
	s16 =	sand.u32 @!p1 $0x4000, s16  }
0x1e: {  	s18 =	sadd.s32 @!p1 s18, s19;
	s19 =	sand.u32 @!p1 $0x300, s20;
	s20 =	sand.u32 @!p1 $0x80, s20  }
0x1f: {  	s18 =	sor.u32 @!p1 s19, s18;
	s17 =	sor.u32 @!p1 s17, s20;
	s19 =	sshll.u32 @!p1 s11, $0x10  }
0x20: {  	s20 =	sshll.u32 @!p1 s10, $0xD;
	s18 =	sshrl.u32 @!p1 s18, $0x3;
	s19 =	sadd.s32 @!p1 s2, s19  }
0x21: {  	s17 =	sshrl.u32 @!p1 s17, $0x3;
	s19 =	sadd.s32 @!p1 s20, s19;
	s20 =	sand.u32 @!p1 $0x7, s8  }
0x22: {  	s18 =	sand.u32 @!p1 $0x1FE0, s18;
	s17 =	sadd.s32 @!p1 s17, s19;
	s19 =	sshll.u32 @!p1 s20, $0x12  }
0x23: {  	s17 =	sadd.s32 @!p1 s18, s17;
	s18 =	sor.u32 @!p1 $0x400, s19;
	s19 =	simm.s32 @!p1 $0x800  }
0x24: {  	[tilespmem:s16], [sflag:$0x1] =	stream.strided.gather @!p1 [hbm4b:s17+s18], $0x4000, s19, s18, $0x38;
	[tilespmem:$0x10000] =	vst v63  }
0x25: {  	p1 =	seq.s32 s7, $0x0  }
0x26: {  	p2 =	seq.s32 @!p1 s7, $0x81  }
0x27: {  	p1 =	por p1, p2  }
.Ltmp2:
0x28: {  	_ = 	snop;
	(pc) =	sbr.rel @p1 .LBB1_5-.Ltmp2, $1  }
0x29: {  	_ =	sdelay $0x3  }
0x2a: {  	s16 =	simm.s32 $0x1  }
0x2b: {  	s16 =	simm.s32 @!p0 $0x0  }
0x2c: {  	s16 =	sshll.u32 s16, $0xE  }
0x2d: {  	s17 =	sor.u32 $0x40, s16  }
0x2e: {  	v1 =	vmov s17;
	_ =	sdelay $0x1  }
0x2f: {  	_ =	swait.ge [sflag:s4], $0x4000  }
0x30: {  	[sflag:s4] =	ssyncset.done $0x0  }
0x31: {  	s18 =	simm.s32 $0x0;
	[sflag:s4] =	ssyncadd.s32 $0xFFFFC000  }
0x32: {  	s16 =	sor.u32 $0x8070, s16;
	v7 =	vld.idx.msk [tilespmem:v1+s18+$0x30 ss:$0x1], $0xffff  }
0x33: {  	v0 =	vmov s16;
	v8 =	vld.idx.msk [tilespmem:v1+s18+$0xFFFFFFC0 ss:$0x1], $0xffff  }
0x34: {  	v6 =	vld.idx.msk [tilespmem:v1+s18+$0xFFFFFFD0 ss:$0x1], $0xffff  }
0x35: {  	v4 =	vld.idx.msk [tilespmem:v1+s18+$0xFFFFFFE0 ss:$0x1], $0xffff  }
0x36: {  	v2 =	vld.idx.msk [tilespmem:v1+s18+$0xFFFFFFF0 ss:$0x1], $0xffff  }
0x37: {  	s31 =	sshll.u32 s7, $0xE;
	v3 =	vld.idx.msk [tilespmem:v1+s18+$0x0 ss:$0x1], $0xffff  }
0x38: {  	s16 =	sand.u32 $0x4000, s31;
	v5 =	vld.idx.msk [tilespmem:v1+s18+$0x10 ss:$0x1], $0xffff;
	[tilespmem:v0+s18+$0x0 ss:$0x1] =	vst.idx.msk $0xffff, v7  }
0x39: {  	s19 =	simm.s32 $0x400;
	s17 =	simm.s32 $0x80;
	s16 =	sor.u32 $0x8000, s16;
	[tilespmem:v0+s18+$0xFFFFFF90 ss:$0x1] =	vst.idx.msk $0xffff, v8;
	v7 =	vld.idx.msk [tilespmem:v1+s18+$0x20 ss:$0x1], $0xffff  }
.LBB1_3:
0x3a: {  	p1 =	sne.s32 s19, $0xFE00;
	v8 =	vld.idx.msk [tilespmem:v1+s17+$0x30 ss:$0x1], $0xffff;
	[tilespmem:v0+s18+$0xFFFFFFA0 ss:$0x1] =	vst.idx.msk $0xffff, v6  }
0x3b: {  	v9 =	vld.idx.msk [tilespmem:v1+s17+$0xFFFFFFC0 ss:$0x1], $0xffff;
	[tilespmem:v0+s18+$0xFFFFFFB0 ss:$0x1] =	vst.idx.msk $0xffff, v4  }
0x3c: {  	v6 =	vld.idx.msk [tilespmem:v1+s17+$0xFFFFFFD0 ss:$0x1], $0xffff;
	[tilespmem:v0+s18+$0xFFFFFFC0 ss:$0x1] =	vst.idx.msk $0xffff, v2  }
.Ltmp3:
0x3d: {  	v4 =	vld.idx.msk [tilespmem:v1+s17+$0xFFFFFFE0 ss:$0x1], $0xffff;
	[tilespmem:v0+s18+$0xFFFFFFD0 ss:$0x1] =	vst.idx.msk $0xffff, v3;
	(pc) =	sbr.rel @p1 .LBB1_3-.Ltmp3, $4  }
0x3e: {  	v2 =	vld.idx.msk [tilespmem:v1+s17+$0xFFFFFFF0 ss:$0x1], $0xffff;
	[tilespmem:v0+s18+$0xFFFFFFE0 ss:$0x1] =	vst.idx.msk $0xffff, v5  }
0x3f: {  	v3 =	vld.idx.msk [tilespmem:v1+s17+$0x0 ss:$0x1], $0xffff;
	[tilespmem:v0+s18+$0xFFFFFFF0 ss:$0x1] =	vst.idx.msk $0xffff, v7;
	s18 =	smov.u32 s17  }
0x40: {  	v5 =	vld.idx.msk [tilespmem:v1+s18+$0x10 ss:$0x1], $0xffff;
	[tilespmem:v0+s18+$0x0 ss:$0x1] =	vst.idx.msk $0xffff, v8  }
0x41: {  	s17 =	sshra.s32 s19, $0x2;
	s19 =	sadd.s32 $0x200, s19;
	[tilespmem:v0+s18+$0xFFFFFF90 ss:$0x1] =	vst.idx.msk $0xffff, v9;
	v7 =	vld.idx.msk [tilespmem:v1+s18+$0x20 ss:$0x1], $0xffff  }
0x42: {  	_ =	sdelay $0x3  }
0x43: {  	[tilespmem:v0+s18+$0xFFFFFFA0 ss:$0x1] =	vst.idx.msk $0xffff, v6  }
0x44: {  	v56 =	vld.idx.msk [tilespmem:v1+s17+$0x30 ss:$0x1], $0xffff;
	[tilespmem:v0+s18+$0xFFFFFFB0 ss:$0x1] =	vst.idx.msk $0xffff, v4  }
0x45: {  	v57 =	vld.idx.msk [tilespmem:v1+s17+$0xFFFFFFC0 ss:$0x1], $0xffff;
	[tilespmem:v0+s18+$0xFFFFFFC0 ss:$0x1] =	vst.idx.msk $0xffff, v2  }
0x46: {  	v58 =	vld.idx.msk [tilespmem:v1+s17+$0xFFFFFFD0 ss:$0x1], $0xffff;
	[tilespmem:v0+s18+$0xFFFFFFD0 ss:$0x1] =	vst.idx.msk $0xffff, v3  }
0x47: {  	v59 =	vld.idx.msk [tilespmem:v1+s17+$0xFFFFFFE0 ss:$0x1], $0xffff;
	[tilespmem:v0+s18+$0xFFFFFFE0 ss:$0x1] =	vst.idx.msk $0xffff, v5  }
0x48: {  	v60 =	vld.idx.msk [tilespmem:v1+s17+$0xFFFFFFF0 ss:$0x1], $0xffff;
	[tilespmem:v0+s18+$0xFFFFFFF0 ss:$0x1] =	vst.idx.msk $0xffff, v7  }
0x49: {  	v61 =	vld.idx.msk [tilespmem:v1+s17+$0x0 ss:$0x1], $0xffff;
	[tilespmem:v0+s17+$0x0 ss:$0x1] =	vst.idx.msk $0xffff, v56  }
0x4a: {  	v62 =	vld.idx.msk [tilespmem:v1+s17+$0x10 ss:$0x1], $0xffff;
	[tilespmem:v0+s17+$0xFFFFFF90 ss:$0x1] =	vst.idx.msk $0xffff, v57  }
0x4b: {  	s15 =	sshll.u32 s15, $0x7;
	v63 =	vld.idx.msk [tilespmem:v1+s17+$0x20 ss:$0x1], $0xffff;
	s29 =	sand.u32 $0x78, s12;
	s30 =	sshll.u32 s12, $0x3;
	[tilespmem:v0+s17+$0xFFFFFFA0 ss:$0x1] =	vst.idx.msk $0xffff, v58  }
0x4c: {  	s14 =	sshll.u32 s14, $0x10;
	s13 =	sshll.u32 s13, $0x8;
	s15 =	sand.u32 $0x380, s15;
	[tilespmem:v0+s17+$0xFFFFFFB0 ss:$0x1] =	vst.idx.msk $0xffff, v59  }
.Ltmp4:
0x4d: {  	s15 =	sor.u32 s29, s15;
	s18 =	sand.u32 $0x400, s30;
	[tilespmem:v0+s17+$0xFFFFFFC0 ss:$0x1] =	vst.idx.msk $0xffff, v60;
	(pc) =	sbr.rel .LBB1_5-.Ltmp4, $4  }
0x4e: {  	s31 =	sand.u32 $0x7, s12;
	s14 =	sadd.s32 s3, s14;
	[tilespmem:v0+s17+$0xFFFFFFD0 ss:$0x1] =	vst.idx.msk $0xffff, v61;
	s15 =	sor.u32 s18, s15  }
0x4f: {  	s12 =	sshll.u32 s31, $0x12;
	s13 =	sadd.s32 s13, s14;
	[tilespmem:v0+s17+$0xFFFFFFE0 ss:$0x1] =	vst.idx.msk $0xffff, v62;
	s15 =	sshrl.u32 s15, $0x3  }
0x50: {  	s12 =	sor.u32 $0x80, s12;
	[tilespmem:v0+s17+$0xFFFFFFF0 ss:$0x1] =	vst.idx.msk $0xffff, v63;
	s13 =	sadd.s32 s15, s13  }
0x51: {  	[hbm4b:s13+s12] =	stream.strided.scatter [tilespmem:s16], [sflag:$0x2], $0x4000, s6, s12, $0x38;
	[tilespmem:$0x10000] =	vst v63  }
.LBB1_6:
0x52: {  	_ =	sfence.sel $0x180000  }
0x53: {  	s2 =	simm.s32 $0x1;
	[bflag:$0x0] =	sbarrier.arrive $0xFFFF  }
0x54: {  	s31 =	simm.s32 $0x2;
	[sflag:s2] =	ssyncpa.u1 $0x1  }
0x55: {  	[sflag:s31] =	ssyncpa.u1 $0x1  }
0x56: {  	p0 =	sne.s32 s1, $0x0;
	_ =	strace $0x90000047  }
0x57: {  	s0 =	sadd.s32 @!p0 $0x100000, s0;
	[bflag:$0x2] =	sbarrier.arrive $0xFFFF  }
0x58: {  	[sflag:s0] =	ssyncadd.tile.s32 @!p0 $0x1;
	_ =	shalt  }
.Lfunc_end1:
_tile_overlayer_lowered:
.L_overlay_start_2:
0x59: {  	(tag) =	ssettag $0x2  }
0x5a: {  	s0 =	rddreg [dreg:$0x0];
	s2 =	stileid.u32  }
0x5b: {  	s1 =	rddreg [dreg:$0x1];
	p0 =	sne.s32 s2, $0x0  }
0x5c: {  	s3 =	rddreg [dreg:$0x2];
	[bflag:$0x3] =	sbarrier.arrive $0xFFFF;
	s2 =	simm.s32 @!p0 $0x1C01  }
0x5d: {  	[timem:s3], [sflag:s2] =	dma.local @!p0 [hbm:s0], s1  }
0x5e: {  	s0 =	simm.s32 @!p0 $0x1  }
0x5f: {  	_ =	swait.ge @!p0 [sflag:s0], s1  }
0x60: {  	s1 =	ssub.s32 @!p0 $0x0, s1;
	[sflag:s0] =	ssyncset.done @!p0 $0x0  }
0x61: {  	[sflag:s0] =	ssyncadd.s32 @!p0 s1  }
0x62: {  	[bflag:$0x3] =	sbarrier.arrive $0xFFFF  }
0x63: {  	_ =	shalt  }

</sc_bundles>
